<compile_context>
chip_gen: v7x
topology: tpu7x:2x2x1
jax: 0.10.2.dev20260603
libtpu: 0.0.44.dev20260713+nightly
codegen_flags: <defaults>
</compile_context>

<pallas_src>
import functools

import jax
import jax.numpy as jnp
from jax import lax
from jax.experimental import pallas as pl
from jax.experimental.pallas import tpu as pltpu
from jax.experimental.pallas import tpu_sc as plsc

D = 128
DH = D // 2
NC, NS = 2, 16
CHUNK = 128
ROWS_PER_TILE = 632
ROWS_PAD = NS * ROWS_PER_TILE
NBUF = 4
LOOK = 2


def _sc_scatter(src_p, dst_p, Hs):
    n_chunks = src_p.shape[1]
    assert n_chunks % NBUF == 0 and n_chunks >= 2 * NBUF
    n_groups = n_chunks // NBUF
    mesh = plsc.VectorSubcoreMesh(core_axis_name="c", subcore_axis_name="s")

    @functools.partial(
        pl.kernel,
        out_type=jax.ShapeDtypeStruct((NC, ROWS_PAD, DH), jnp.float32),
        mesh=mesh,
        scratch_types=[
            pltpu.VMEM((n_chunks, CHUNK), jnp.int32),
            pltpu.VMEM((n_chunks, CHUNK), jnp.int32),
            [pltpu.VMEM((CHUNK, DH), jnp.float32) for _ in range(NBUF)],
            pltpu.VMEM_SHARED((ROWS_PAD, DH), jnp.float32),
            [pltpu.SemaphoreType.DMA for _ in range(NBUF)],
            [pltpu.SemaphoreType.DMA for _ in range(NBUF)],
        ],
        compiler_params=pltpu.CompilerParams(use_tc_tiling_on_sc=False),
    )
    def k(src_hbm, dst_hbm, hs_hbm, out_hbm, src_v, dst_v, rows, acc, gsem, ssem):
        cid = lax.axis_index("c")
        sid = lax.axis_index("s")
        h_half = hs_hbm.at[cid]

        pltpu.sync_copy(src_hbm.at[sid], src_v)
        pltpu.sync_copy(dst_hbm.at[sid], dst_v)

        zeros = jnp.zeros((16,), jnp.float32)

        def zbody(i, carry):
            for j in range(DH // 16):
                rows[0][i, pl.ds(j * 16, 16)] = zeros
            return carry

        lax.fori_loop(0, CHUNK, zbody, 0)
        base = sid * ROWS_PER_TILE
        off = 0
        while off < ROWS_PER_TILE:
            n = min(CHUNK, ROWS_PER_TILE - off)
            pltpu.sync_copy(rows[0].at[pl.ds(0, n)], acc.at[pl.ds(base + off, n)])
            off += n
        plsc.subcore_barrier()

        def issue_gather(c, b):
            pltpu.async_copy(h_half.at[src_v.at[c]], rows[b], gsem[b])

        def wait_gather(b):
            pltpu.make_async_copy(h_half.at[src_v.at[0]], rows[b], gsem[b]).wait()

        def issue_scatter(c, b):
            pltpu.async_copy(rows[b], acc.at[dst_v.at[c]], ssem[b], add=True)

        def wait_scatter(b):
            pltpu.make_async_copy(rows[b], acc.at[dst_v.at[0]], ssem[b]).wait()

        def step(c, b, first, last):
            bf = (b + LOOK) % NBUF
            do_gather = not last or b < NBUF - LOOK
            if do_gather:
                if not (first and b < LOOK):
                    wait_scatter(bf)
                issue_gather(c + LOOK, bf)
            wait_gather(b)
            issue_scatter(c, b)

        for b in range(LOOK):
            issue_gather(b, b)
        for b in range(NBUF):
            step(b, b, first=True, last=False)

        def gbody(g, carry):
            c0 = g * NBUF
            for b in range(NBUF):
                step(c0 + b, b, first=False, last=False)
            return carry

        lax.fori_loop(1, n_groups - 1, gbody, 0)
        c0 = (n_groups - 1) * NBUF
        for b in range(NBUF):
            step(c0 + b, b, first=False, last=True)
        for b in range(NBUF):
            wait_scatter(b)
        plsc.subcore_barrier()

        pltpu.sync_copy(
            acc.at[pl.ds(sid * ROWS_PER_TILE, ROWS_PER_TILE)],
            out_hbm.at[cid].at[pl.ds(sid * ROWS_PER_TILE, ROWS_PER_TILE)],
        )

    return k(src_p, dst_p, Hs)


def _tc_matmul(H, NH0, NH1, W):
    n_nodes = H.shape[0]
    bm = 1000

    def body(h_ref, n0_ref, n1_ref, w_ref, o_ref):
        x = h_ref[...] + jnp.concatenate([n0_ref[...], n1_ref[...]], axis=1)
        y = jnp.dot(x, w_ref[...], preferred_element_type=jnp.float32)
        o_ref[...] = jnp.maximum(y, 0.0)

    return pl.pallas_call(
        body,
        grid=(n_nodes // bm,),
        in_specs=[
            pl.BlockSpec((bm, D), lambda i: (i, 0)),
            pl.BlockSpec((bm, DH), lambda i: (i, 0)),
            pl.BlockSpec((bm, DH), lambda i: (i, 0)),
            pl.BlockSpec((D, D), lambda i: (0, 0)),
        ],
        out_specs=pl.BlockSpec((bm, D), lambda i: (i, 0)),
        out_shape=jax.ShapeDtypeStruct((n_nodes, D), jnp.float32),
    )(H, NH0, NH1, W)


def kernel(H, edge_index, W):
    n_nodes = H.shape[0]
    dump = n_nodes
    src = edge_index[0].astype(jnp.int32)
    dst = edge_index[1].astype(jnp.int32)
    e = src.shape[0]

    per_round = NS * CHUNK
    n_chunks = -(-e // per_round)
    n_chunks += (-n_chunks) % NBUF
    total = NS * n_chunks * CHUNK
    pad = total - e
    src_p = jnp.concatenate([src, jnp.zeros((pad,), jnp.int32)]).reshape(
        NS, n_chunks, CHUNK
    )
    dst_p = jnp.concatenate([dst, jnp.full((pad,), dump, jnp.int32)]).reshape(
        NS, n_chunks, CHUNK
    )
    Hs = jnp.moveaxis(H.reshape(n_nodes, NC, DH), 1, 0)

    parts = _sc_scatter(src_p, dst_p, Hs)
    nh0 = parts[0, :n_nodes]
    nh1 = parts[1, :n_nodes]
    return _tc_matmul(H, nh0, nh1, W)

# --- scband reference (transcript-rebuilt; emitter-appended) ---
"""Pipeline reference for scband-gcnlayer-30116310679886 (READ-ONLY COPY).

The authoritative reference and input builder live on the scoring server;
editing this copy changes nothing except your own understanding.
"""

import jax, jax.numpy as jnp
import numpy as np

N_NODES = 10000
N_EDGES = 320000
D_IN = 128
D_OUT = 128


def setup_inputs(seed: int = 0) -> dict:
    key = jax.random.key(seed)
    k_h, k_e, k_w = jax.random.split(key, 3)
    H = jax.random.normal(k_h, (N_NODES, D_IN), dtype=jnp.float32)
    edge_index = jax.random.randint(k_e, (2, N_EDGES), 0, N_NODES, dtype=jnp.int64)
    # kaiming normal init for W[in_features, out_features] (fan_in = in_features)
    W = jax.random.normal(k_w, (D_IN, D_OUT), dtype=jnp.float32) * np.sqrt(2.0 / D_IN)
    return {"H": H, "edge_index": edge_index, "W": W}


def reference(H, edge_index, W):
    # scatter_add: aggregate source-node features into destination nodes
    gathered = H[edge_index[0]]  # [E, D_IN] gather
    new_H = jnp.zeros((H.shape[0], H.shape[1]), dtype=H.dtype).at[edge_index[1]].add(gathered)
    out = H + new_H
    out = out @ W
    out = jax.nn.relu(out)
    return out

if __name__ == "__main__":
    import jax
    _d = setup_inputs()
    print(jax.jit(kernel)(*tuple(_d.values())))

</pallas_src>

<mosaic_0001>
#map = affine_map<(d0, d1) -> (0, 0, 0)>
module attributes {stable_mosaic.version = 14 : i64} {
  func.func @k(%arg0: i32, %arg1: i32, %arg2: memref<16x160x128xi32, #tpu.memory_space<hbm>>, %arg3: memref<16x160x128xi32, #tpu.memory_space<hbm>>, %arg4: memref<2x10000x64xf32, #tpu.memory_space<hbm>>, %arg5: memref<2x10112x64xf32, #tpu.memory_space<hbm>>, %arg6: memref<160x128xi32, #tpu.memory_space<vmem>>, %arg7: memref<160x128xi32, #tpu.memory_space<vmem>>, %arg8: memref<128x64xf32, #tpu.memory_space<vmem>>, %arg9: memref<128x64xf32, #tpu.memory_space<vmem>>, %arg10: memref<128x64xf32, #tpu.memory_space<vmem>>, %arg11: memref<128x64xf32, #tpu.memory_space<vmem>>, %arg12: memref<10112x64xf32, #tpu.memory_space<vmem_shared>>, %arg13: memref<!tpu.dma_semaphore, #tpu.memory_space<semaphore_mem>>, %arg14: memref<!tpu.dma_semaphore, #tpu.memory_space<semaphore_mem>>, %arg15: memref<!tpu.dma_semaphore, #tpu.memory_space<semaphore_mem>>, %arg16: memref<!tpu.dma_semaphore, #tpu.memory_space<semaphore_mem>>, %arg17: memref<!tpu.dma_semaphore, #tpu.memory_space<semaphore_mem>>, %arg18: memref<!tpu.dma_semaphore, #tpu.memory_space<semaphore_mem>>, %arg19: memref<!tpu.dma_semaphore, #tpu.memory_space<semaphore_mem>>, %arg20: memref<!tpu.dma_semaphore, #tpu.memory_space<semaphore_mem>>) attributes {dimension_semantics = [#tpu.dimension_semantics<core_parallel>, #tpu.dimension_semantics<subcore_parallel>], iteration_bounds = array<i64: 2, 16>, scalar_prefetch = 0 : i64, scratch_operands = 15 : i64, tpu.core_type = #tpu.core_type<sc_vector_subcore>, window_params = [{transform_indices = #map}, {transform_indices = #map}, {transform_indices = #map}, {transform_indices = #map}]} {
    "tpu.region"() ({
      %run_scoped3A = tpu.sem_alloc : memref<!tpu.dma_semaphore, #tpu.memory_space<semaphore_mem>>
      %dma_start3A_313 = arith.constant 0 : i32
      %dma_start3A_314 = arith.constant 0 : i32
      %dma_start3A_315 = tpu.memref_slice %arg2[%arg1, %dma_start3A_313, %dma_start3A_314] : memref<16x160x128xi32, #tpu.memory_space<hbm>> -> memref<1x160x128xi32, #tpu.memory_space<hbm>>
      %dma_start3A_316 = tpu.memref_squeeze %dma_start3A_315 : memref<1x160x128xi32, #tpu.memory_space<hbm>> -> memref<160x128xi32, #tpu.memory_space<hbm>>
      %dma_start3A_317 = arith.constant 0 : i32
      %dma_start3A_318 = arith.constant 0 : i32
      %dma_start3A_319 = tpu.memref_slice %arg2[%arg1, %dma_start3A_317, %dma_start3A_318] : memref<16x160x128xi32, #tpu.memory_space<hbm>> -> memref<1x160x128xi32, #tpu.memory_space<hbm>>
      %dma_start3A_320 = tpu.memref_squeeze %dma_start3A_319 : memref<1x160x128xi32, #tpu.memory_space<hbm>> -> memref<160x128xi32, #tpu.memory_space<hbm>>
      tpu.enqueue_dma source(%dma_start3A_320 : memref<160x128xi32, #tpu.memory_space<hbm>>) target(%arg6 : memref<160x128xi32, #tpu.memory_space<vmem>>) target_semaphore(%run_scoped3A : memref<!tpu.dma_semaphore, #tpu.memory_space<semaphore_mem>>)
      %dma_wait3A_321 = arith.constant 0 : i32
      %dma_wait3A_322 = arith.constant 0 : i32
      %dma_wait3A_323 = tpu.memref_slice %arg2[%arg1, %dma_wait3A_321, %dma_wait3A_322] : memref<16x160x128xi32, #tpu.memory_space<hbm>> -> memref<1x160x128xi32, #tpu.memory_space<hbm>>
      %dma_wait3A_324 = tpu.memref_squeeze %dma_wait3A_323 : memref<1x160x128xi32, #tpu.memory_space<hbm>> -> memref<160x128xi32, #tpu.memory_space<hbm>>
      %dma_wait3A_325 = arith.constant 0 : i32
      %dma_wait3A_326 = arith.constant 0 : i32
      %dma_wait3A_327 = tpu.memref_slice %arg2[%arg1, %dma_wait3A_325, %dma_wait3A_326] : memref<16x160x128xi32, #tpu.memory_space<hbm>> -> memref<1x160x128xi32, #tpu.memory_space<hbm>>
      %dma_wait3A_328 = tpu.memref_squeeze %dma_wait3A_327 : memref<1x160x128xi32, #tpu.memory_space<hbm>> -> memref<160x128xi32, #tpu.memory_space<hbm>>
      tpu.wait_dma2 semaphore(%run_scoped3A : memref<!tpu.dma_semaphore, #tpu.memory_space<semaphore_mem>>) src(%dma_wait3A_328 : memref<160x128xi32, #tpu.memory_space<hbm>>) dst(%arg6 : memref<160x128xi32, #tpu.memory_space<vmem>>)
      tpu.yield
    }) : () -> ()
    "tpu.region"() ({
      %run_scoped3A = tpu.sem_alloc : memref<!tpu.dma_semaphore, #tpu.memory_space<semaphore_mem>>
      %dma_start3A_313 = arith.constant 0 : i32
      %dma_start3A_314 = arith.constant 0 : i32
      %dma_start3A_315 = tpu.memref_slice %arg3[%arg1, %dma_start3A_313, %dma_start3A_314] : memref<16x160x128xi32, #tpu.memory_space<hbm>> -> memref<1x160x128xi32, #tpu.memory_space<hbm>>
      %dma_start3A_316 = tpu.memref_squeeze %dma_start3A_315 : memref<1x160x128xi32, #tpu.memory_space<hbm>> -> memref<160x128xi32, #tpu.memory_space<hbm>>
      %dma_start3A_317 = arith.constant 0 : i32
      %dma_start3A_318 = arith.constant 0 : i32
      %dma_start3A_319 = tpu.memref_slice %arg3[%arg1, %dma_start3A_317, %dma_start3A_318] : memref<16x160x128xi32, #tpu.memory_space<hbm>> -> memref<1x160x128xi32, #tpu.memory_space<hbm>>
      %dma_start3A_320 = tpu.memref_squeeze %dma_start3A_319 : memref<1x160x128xi32, #tpu.memory_space<hbm>> -> memref<160x128xi32, #tpu.memory_space<hbm>>
      tpu.enqueue_dma source(%dma_start3A_320 : memref<160x128xi32, #tpu.memory_space<hbm>>) target(%arg7 : memref<160x128xi32, #tpu.memory_space<vmem>>) target_semaphore(%run_scoped3A : memref<!tpu.dma_semaphore, #tpu.memory_space<semaphore_mem>>)
      %dma_wait3A_321 = arith.constant 0 : i32
      %dma_wait3A_322 = arith.constant 0 : i32
      %dma_wait3A_323 = tpu.memref_slice %arg3[%arg1, %dma_wait3A_321, %dma_wait3A_322] : memref<16x160x128xi32, #tpu.memory_space<hbm>> -> memref<1x160x128xi32, #tpu.memory_space<hbm>>
      %dma_wait3A_324 = tpu.memref_squeeze %dma_wait3A_323 : memref<1x160x128xi32, #tpu.memory_space<hbm>> -> memref<160x128xi32, #tpu.memory_space<hbm>>
      %dma_wait3A_325 = arith.constant 0 : i32
      %dma_wait3A_326 = arith.constant 0 : i32
      %dma_wait3A_327 = tpu.memref_slice %arg3[%arg1, %dma_wait3A_325, %dma_wait3A_326] : memref<16x160x128xi32, #tpu.memory_space<hbm>> -> memref<1x160x128xi32, #tpu.memory_space<hbm>>
      %dma_wait3A_328 = tpu.memref_squeeze %dma_wait3A_327 : memref<1x160x128xi32, #tpu.memory_space<hbm>> -> memref<160x128xi32, #tpu.memory_space<hbm>>
      tpu.wait_dma2 semaphore(%run_scoped3A : memref<!tpu.dma_semaphore, #tpu.memory_space<semaphore_mem>>) src(%dma_wait3A_328 : memref<160x128xi32, #tpu.memory_space<hbm>>) dst(%arg7 : memref<160x128xi32, #tpu.memory_space<vmem>>)
      tpu.yield
    }) : () -> ()
    %broadcast_in_dim3A = arith.constant 0.000000e+00 : f32
    %broadcast_in_dim3A_0 = vector.broadcast %broadcast_in_dim3A : f32 to vector<16xf32>
    %scan3A = arith.constant 0 : i32
    %scan3A_1 = arith.constant 0 : i32
    %scan3A_2 = arith.constant 128 : i32
    %scan3A_3 = arith.addi %scan3A_1, %scan3A_2 : i32
    %scan3A_4 = arith.constant 1 : i32
    scf.for %scan3A_313 = %scan3A_1 to %scan3A_3 step %scan3A_4  : i32 {
      %swap3A = arith.index_cast %scan3A_313 : i32 to index
      %swap3A_314 = arith.constant 0 : index
      %swap3A_315 = tpu.vector_load %arg8[%swap3A, %swap3A_314] {strides = array<i32>} : memref<128x64xf32, #tpu.memory_space<vmem>>, vector<1x16xf32>,
      %swap3A_316 = vector.shape_cast %swap3A_315 : vector<1x16xf32> to vector<16xf32>
      %swap3A_317 = vector.shape_cast %broadcast_in_dim3A_0 : vector<16xf32> to vector<1x16xf32>
      tpu.vector_store %arg8[%swap3A, %swap3A_314], %swap3A_317 {strides = array<i32>} : memref<128x64xf32, #tpu.memory_space<vmem>>, vector<1x16xf32>,
      %swap3A_318 = arith.index_cast %scan3A_313 : i32 to index
      %swap3A_319 = arith.constant 16 : index
      %swap3A_320 = tpu.vector_load %arg8[%swap3A_318, %swap3A_319] {strides = array<i32>} : memref<128x64xf32, #tpu.memory_space<vmem>>, vector<1x16xf32>,
      %swap3A_321 = vector.shape_cast %swap3A_320 : vector<1x16xf32> to vector<16xf32>
      %swap3A_322 = vector.shape_cast %broadcast_in_dim3A_0 : vector<16xf32> to vector<1x16xf32>
      tpu.vector_store %arg8[%swap3A_318, %swap3A_319], %swap3A_322 {strides = array<i32>} : memref<128x64xf32, #tpu.memory_space<vmem>>, vector<1x16xf32>,
      %swap3A_323 = arith.index_cast %scan3A_313 : i32 to index
      %swap3A_324 = arith.constant 32 : index
      %swap3A_325 = tpu.vector_load %arg8[%swap3A_323, %swap3A_324] {strides = array<i32>} : memref<128x64xf32, #tpu.memory_space<vmem>>, vector<1x16xf32>,
      %swap3A_326 = vector.shape_cast %swap3A_325 : vector<1x16xf32> to vector<16xf32>
      %swap3A_327 = vector.shape_cast %broadcast_in_dim3A_0 : vector<16xf32> to vector<1x16xf32>
      tpu.vector_store %arg8[%swap3A_323, %swap3A_324], %swap3A_327 {strides = array<i32>} : memref<128x64xf32, #tpu.memory_space<vmem>>, vector<1x16xf32>,
      %swap3A_328 = arith.index_cast %scan3A_313 : i32 to index
      %swap3A_329 = arith.constant 48 : index
      %swap3A_330 = tpu.vector_load %arg8[%swap3A_328, %swap3A_329] {strides = array<i32>} : memref<128x64xf32, #tpu.memory_space<vmem>>, vector<1x16xf32>,
      %swap3A_331 = vector.shape_cast %swap3A_330 : vector<1x16xf32> to vector<16xf32>
      %swap3A_332 = vector.shape_cast %broadcast_in_dim3A_0 : vector<16xf32> to vector<1x16xf32>
      tpu.vector_store %arg8[%swap3A_328, %swap3A_329], %swap3A_332 {strides = array<i32>} : memref<128x64xf32, #tpu.memory_space<vmem>>, vector<1x16xf32>,
    }
    %scan3A_5 = arith.constant 128 : i32
    %mul3A = arith.constant 632 : i32
    %mul3A_6 = arith.muli %arg1, %mul3A : i32
    %add3A = arith.constant 0 : i32
    %add3A_7 = arith.addi %mul3A_6, %add3A : i32
    "tpu.region"() ({
      %run_scoped3A = tpu.sem_alloc : memref<!tpu.dma_semaphore, #tpu.memory_space<semaphore_mem>>
      %dma_start3A_313 = arith.constant 0 : i32
      %dma_start3A_314 = arith.constant 0 : i32
      %dma_start3A_315 = tpu.memref_slice %arg8[%dma_start3A_313, %dma_start3A_314] : memref<128x64xf32, #tpu.memory_space<vmem>> -> memref<128x64xf32, #tpu.memory_space<vmem>>
      %dma_start3A_316 = arith.constant 0 : i32
      %dma_start3A_317 = tpu.memref_slice %arg12[%add3A_7, %dma_start3A_316] : memref<10112x64xf32, #tpu.memory_space<vmem_shared>> -> memref<128x64xf32, #tpu.memory_space<vmem_shared>>
      %dma_start3A_318 = arith.constant 0 : i32
      %dma_start3A_319 = tpu.memref_slice %arg12[%add3A_7, %dma_start3A_318] : memref<10112x64xf32, #tpu.memory_space<vmem_shared>> -> memref<128x64xf32, #tpu.memory_space<vmem_shared>>
      %dma_start3A_320 = arith.constant 0 : i32
      %dma_start3A_321 = arith.constant 0 : i32
      %dma_start3A_322 = tpu.memref_slice %arg8[%dma_start3A_320, %dma_start3A_321] : memref<128x64xf32, #tpu.memory_space<vmem>> -> memref<128x64xf32, #tpu.memory_space<vmem>>
      tpu.enqueue_dma source(%dma_start3A_322 : memref<128x64xf32, #tpu.memory_space<vmem>>) target(%dma_start3A_319 : memref<128x64xf32, #tpu.memory_space<vmem_shared>>) target_semaphore(%run_scoped3A : memref<!tpu.dma_semaphore, #tpu.memory_space<semaphore_mem>>)
      %dma_wait3A_323 = arith.constant 0 : i32
      %dma_wait3A_324 = arith.constant 0 : i32
      %dma_wait3A_325 = tpu.memref_slice %arg8[%dma_wait3A_323, %dma_wait3A_324] : memref<128x64xf32, #tpu.memory_space<vmem>> -> memref<128x64xf32, #tpu.memory_space<vmem>>
      %dma_wait3A_326 = arith.constant 0 : i32
      %dma_wait3A_327 = tpu.memref_slice %arg12[%add3A_7, %dma_wait3A_326] : memref<10112x64xf32, #tpu.memory_space<vmem_shared>> -> memref<128x64xf32, #tpu.memory_space<vmem_shared>>
      %dma_wait3A_328 = arith.constant 0 : i32
      %dma_wait3A_329 = tpu.memref_slice %arg12[%add3A_7, %dma_wait3A_328] : memref<10112x64xf32, #tpu.memory_space<vmem_shared>> -> memref<128x64xf32, #tpu.memory_space<vmem_shared>>
      %dma_wait3A_330 = arith.constant 0 : i32
      %dma_wait3A_331 = arith.constant 0 : i32
      %dma_wait3A_332 = tpu.memref_slice %arg8[%dma_wait3A_330, %dma_wait3A_331] : memref<128x64xf32, #tpu.memory_space<vmem>> -> memref<128x64xf32, #tpu.memory_space<vmem>>
      tpu.wait_dma2 semaphore(%run_scoped3A : memref<!tpu.dma_semaphore, #tpu.memory_space<semaphore_mem>>) src(%dma_wait3A_332 : memref<128x64xf32, #tpu.memory_space<vmem>>) dst(%dma_wait3A_329 : memref<128x64xf32, #tpu.memory_space<vmem_shared>>)
      tpu.yield
    }) : () -> ()
    %add3A_8 = arith.constant 128 : i32
    %add3A_9 = arith.addi %mul3A_6, %add3A_8 : i32
    "tpu.region"() ({
      %run_scoped3A = tpu.sem_alloc : memref<!tpu.dma_semaphore, #tpu.memory_space<semaphore_mem>>
      %dma_start3A_313 = arith.constant 0 : i32
      %dma_start3A_314 = arith.constant 0 : i32
      %dma_start3A_315 = tpu.memref_slice %arg8[%dma_start3A_313, %dma_start3A_314] : memref<128x64xf32, #tpu.memory_space<vmem>> -> memref<128x64xf32, #tpu.memory_space<vmem>>
      %dma_start3A_316 = arith.constant 0 : i32
      %dma_start3A_317 = tpu.memref_slice %arg12[%add3A_9, %dma_start3A_316] : memref<10112x64xf32, #tpu.memory_space<vmem_shared>> -> memref<128x64xf32, #tpu.memory_space<vmem_shared>>
      %dma_start3A_318 = arith.constant 0 : i32
      %dma_start3A_319 = tpu.memref_slice %arg12[%add3A_9, %dma_start3A_318] : memref<10112x64xf32, #tpu.memory_space<vmem_shared>> -> memref<128x64xf32, #tpu.memory_space<vmem_shared>>
      %dma_start3A_320 = arith.constant 0 : i32
      %dma_start3A_321 = arith.constant 0 : i32
      %dma_start3A_322 = tpu.memref_slice %arg8[%dma_start3A_320, %dma_start3A_321] : memref<128x64xf32, #tpu.memory_space<vmem>> -> memref<128x64xf32, #tpu.memory_space<vmem>>
      tpu.enqueue_dma source(%dma_start3A_322 : memref<128x64xf32, #tpu.memory_space<vmem>>) target(%dma_start3A_319 : memref<128x64xf32, #tpu.memory_space<vmem_shared>>) target_semaphore(%run_scoped3A : memref<!tpu.dma_semaphore, #tpu.memory_space<semaphore_mem>>)
      %dma_wait3A_323 = arith.constant 0 : i32
      %dma_wait3A_324 = arith.constant 0 : i32
      %dma_wait3A_325 = tpu.memref_slice %arg8[%dma_wait3A_323, %dma_wait3A_324] : memref<128x64xf32, #tpu.memory_space<vmem>> -> memref<128x64xf32, #tpu.memory_space<vmem>>
      %dma_wait3A_326 = arith.constant 0 : i32
      %dma_wait3A_327 = tpu.memref_slice %arg12[%add3A_9, %dma_wait3A_326] : memref<10112x64xf32, #tpu.memory_space<vmem_shared>> -> memref<128x64xf32, #tpu.memory_space<vmem_shared>>
      %dma_wait3A_328 = arith.constant 0 : i32
      %dma_wait3A_329 = tpu.memref_slice %arg12[%add3A_9, %dma_wait3A_328] : memref<10112x64xf32, #tpu.memory_space<vmem_shared>> -> memref<128x64xf32, #tpu.memory_space<vmem_shared>>
      %dma_wait3A_330 = arith.constant 0 : i32
      %dma_wait3A_331 = arith.constant 0 : i32
      %dma_wait3A_332 = tpu.memref_slice %arg8[%dma_wait3A_330, %dma_wait3A_331] : memref<128x64xf32, #tpu.memory_space<vmem>> -> memref<128x64xf32, #tpu.memory_space<vmem>>
      tpu.wait_dma2 semaphore(%run_scoped3A : memref<!tpu.dma_semaphore, #tpu.memory_space<semaphore_mem>>) src(%dma_wait3A_332 : memref<128x64xf32, #tpu.memory_space<vmem>>) dst(%dma_wait3A_329 : memref<128x64xf32, #tpu.memory_space<vmem_shared>>)
      tpu.yield
    }) : () -> ()
    %add3A_10 = arith.constant 256 : i32
    %add3A_11 = arith.addi %mul3A_6, %add3A_10 : i32
    "tpu.region"() ({
      %run_scoped3A = tpu.sem_alloc : memref<!tpu.dma_semaphore, #tpu.memory_space<semaphore_mem>>
      %dma_start3A_313 = arith.constant 0 : i32
      %dma_start3A_314 = arith.constant 0 : i32
      %dma_start3A_315 = tpu.memref_slice %arg8[%dma_start3A_313, %dma_start3A_314] : memref<128x64xf32, #tpu.memory_space<vmem>> -> memref<128x64xf32, #tpu.memory_space<vmem>>
      %dma_start3A_316 = arith.constant 0 : i32
      %dma_start3A_317 = tpu.memref_slice %arg12[%add3A_11, %dma_start3A_316] : memref<10112x64xf32, #tpu.memory_space<vmem_shared>> -> memref<128x64xf32, #tpu.memory_space<vmem_shared>>
      %dma_start3A_318 = arith.constant 0 : i32
      %dma_start3A_319 = tpu.memref_slice %arg12[%add3A_11, %dma_start3A_318] : memref<10112x64xf32, #tpu.memory_space<vmem_shared>> -> memref<128x64xf32, #tpu.memory_space<vmem_shared>>
      %dma_start3A_320 = arith.constant 0 : i32
      %dma_start3A_321 = arith.constant 0 : i32
      %dma_start3A_322 = tpu.memref_slice %arg8[%dma_start3A_320, %dma_start3A_321] : memref<128x64xf32, #tpu.memory_space<vmem>> -> memref<128x64xf32, #tpu.memory_space<vmem>>
      tpu.enqueue_dma source(%dma_start3A_322 : memref<128x64xf32, #tpu.memory_space<vmem>>) target(%dma_start3A_319 : memref<128x64xf32, #tpu.memory_space<vmem_shared>>) target_semaphore(%run_scoped3A : memref<!tpu.dma_semaphore, #tpu.memory_space<semaphore_mem>>)
      %dma_wait3A_323 = arith.constant 0 : i32
      %dma_wait3A_324 = arith.constant 0 : i32
      %dma_wait3A_325 = tpu.memref_slice %arg8[%dma_wait3A_323, %dma_wait3A_324] : memref<128x64xf32, #tpu.memory_space<vmem>> -> memref<128x64xf32, #tpu.memory_space<vmem>>
      %dma_wait3A_326 = arith.constant 0 : i32
      %dma_wait3A_327 = tpu.memref_slice %arg12[%add3A_11, %dma_wait3A_326] : memref<10112x64xf32, #tpu.memory_space<vmem_shared>> -> memref<128x64xf32, #tpu.memory_space<vmem_shared>>
      %dma_wait3A_328 = arith.constant 0 : i32
      %dma_wait3A_329 = tpu.memref_slice %arg12[%add3A_11, %dma_wait3A_328] : memref<10112x64xf32, #tpu.memory_space<vmem_shared>> -> memref<128x64xf32, #tpu.memory_space<vmem_shared>>
      %dma_wait3A_330 = arith.constant 0 : i32
      %dma_wait3A_331 = arith.constant 0 : i32
      %dma_wait3A_332 = tpu.memref_slice %arg8[%dma_wait3A_330, %dma_wait3A_331] : memref<128x64xf32, #tpu.memory_space<vmem>> -> memref<128x64xf32, #tpu.memory_space<vmem>>
      tpu.wait_dma2 semaphore(%run_scoped3A : memref<!tpu.dma_semaphore, #tpu.memory_space<semaphore_mem>>) src(%dma_wait3A_332 : memref<128x64xf32, #tpu.memory_space<vmem>>) dst(%dma_wait3A_329 : memref<128x64xf32, #tpu.memory_space<vmem_shared>>)
      tpu.yield
    }) : () -> ()
    %add3A_12 = arith.constant 384 : i32
    %add3A_13 = arith.addi %mul3A_6, %add3A_12 : i32
    "tpu.region"() ({
      %run_scoped3A = tpu.sem_alloc : memref<!tpu.dma_semaphore, #tpu.memory_space<semaphore_mem>>
      %dma_start3A_313 = arith.constant 0 : i32
      %dma_start3A_314 = arith.constant 0 : i32
      %dma_start3A_315 = tpu.memref_slice %arg8[%dma_start3A_313, %dma_start3A_314] : memref<128x64xf32, #tpu.memory_space<vmem>> -> memref<128x64xf32, #tpu.memory_space<vmem>>
      %dma_start3A_316 = arith.constant 0 : i32
      %dma_start3A_317 = tpu.memref_slice %arg12[%add3A_13, %dma_start3A_316] : memref<10112x64xf32, #tpu.memory_space<vmem_shared>> -> memref<128x64xf32, #tpu.memory_space<vmem_shared>>
      %dma_start3A_318 = arith.constant 0 : i32
      %dma_start3A_319 = tpu.memref_slice %arg12[%add3A_13, %dma_start3A_318] : memref<10112x64xf32, #tpu.memory_space<vmem_shared>> -> memref<128x64xf32, #tpu.memory_space<vmem_shared>>
      %dma_start3A_320 = arith.constant 0 : i32
      %dma_start3A_321 = arith.constant 0 : i32
      %dma_start3A_322 = tpu.memref_slice %arg8[%dma_start3A_320, %dma_start3A_321] : memref<128x64xf32, #tpu.memory_space<vmem>> -> memref<128x64xf32, #tpu.memory_space<vmem>>
      tpu.enqueue_dma source(%dma_start3A_322 : memref<128x64xf32, #tpu.memory_space<vmem>>) target(%dma_start3A_319 : memref<128x64xf32, #tpu.memory_space<vmem_shared>>) target_semaphore(%run_scoped3A : memref<!tpu.dma_semaphore, #tpu.memory_space<semaphore_mem>>)
      %dma_wait3A_323 = arith.constant 0 : i32
      %dma_wait3A_324 = arith.constant 0 : i32
      %dma_wait3A_325 = tpu.memref_slice %arg8[%dma_wait3A_323, %dma_wait3A_324] : memref<128x64xf32, #tpu.memory_space<vmem>> -> memref<128x64xf32, #tpu.memory_space<vmem>>
      %dma_wait3A_326 = arith.constant 0 : i32
      %dma_wait3A_327 = tpu.memref_slice %arg12[%add3A_13, %dma_wait3A_326] : memref<10112x64xf32, #tpu.memory_space<vmem_shared>> -> memref<128x64xf32, #tpu.memory_space<vmem_shared>>
      %dma_wait3A_328 = arith.constant 0 : i32
      %dma_wait3A_329 = tpu.memref_slice %arg12[%add3A_13, %dma_wait3A_328] : memref<10112x64xf32, #tpu.memory_space<vmem_shared>> -> memref<128x64xf32, #tpu.memory_space<vmem_shared>>
      %dma_wait3A_330 = arith.constant 0 : i32
      %dma_wait3A_331 = arith.constant 0 : i32
      %dma_wait3A_332 = tpu.memref_slice %arg8[%dma_wait3A_330, %dma_wait3A_331] : memref<128x64xf32, #tpu.memory_space<vmem>> -> memref<128x64xf32, #tpu.memory_space<vmem>>
      tpu.wait_dma2 semaphore(%run_scoped3A : memref<!tpu.dma_semaphore, #tpu.memory_space<semaphore_mem>>) src(%dma_wait3A_332 : memref<128x64xf32, #tpu.memory_space<vmem>>) dst(%dma_wait3A_329 : memref<128x64xf32, #tpu.memory_space<vmem_shared>>)
      tpu.yield
    }) : () -> ()
    %add3A_14 = arith.constant 512 : i32
    %add3A_15 = arith.addi %mul3A_6, %add3A_14 : i32
    "tpu.region"() ({
      %run_scoped3A = tpu.sem_alloc : memref<!tpu.dma_semaphore, #tpu.memory_space<semaphore_mem>>
      %dma_start3A_313 = arith.constant 0 : i32
      %dma_start3A_314 = arith.constant 0 : i32
      %dma_start3A_315 = tpu.memref_slice %arg8[%dma_start3A_313, %dma_start3A_314] : memref<128x64xf32, #tpu.memory_space<vmem>> -> memref<120x64xf32, #tpu.memory_space<vmem>>
      %dma_start3A_316 = arith.constant 0 : i32
      %dma_start3A_317 = tpu.memref_slice %arg12[%add3A_15, %dma_start3A_316] : memref<10112x64xf32, #tpu.memory_space<vmem_shared>> -> memref<120x64xf32, #tpu.memory_space<vmem_shared>>
      %dma_start3A_318 = arith.constant 0 : i32
      %dma_start3A_319 = tpu.memref_slice %arg12[%add3A_15, %dma_start3A_318] : memref<10112x64xf32, #tpu.memory_space<vmem_shared>> -> memref<120x64xf32, #tpu.memory_space<vmem_shared>>
      %dma_start3A_320 = arith.constant 0 : i32
      %dma_start3A_321 = arith.constant 0 : i32
      %dma_start3A_322 = tpu.memref_slice %arg8[%dma_start3A_320, %dma_start3A_321] : memref<128x64xf32, #tpu.memory_space<vmem>> -> memref<120x64xf32, #tpu.memory_space<vmem>>
      tpu.enqueue_dma source(%dma_start3A_322 : memref<120x64xf32, #tpu.memory_space<vmem>>) target(%dma_start3A_319 : memref<120x64xf32, #tpu.memory_space<vmem_shared>>) target_semaphore(%run_scoped3A : memref<!tpu.dma_semaphore, #tpu.memory_space<semaphore_mem>>)
      %dma_wait3A_323 = arith.constant 0 : i32
      %dma_wait3A_324 = arith.constant 0 : i32
      %dma_wait3A_325 = tpu.memref_slice %arg8[%dma_wait3A_323, %dma_wait3A_324] : memref<128x64xf32, #tpu.memory_space<vmem>> -> memref<120x64xf32, #tpu.memory_space<vmem>>
      %dma_wait3A_326 = arith.constant 0 : i32
      %dma_wait3A_327 = tpu.memref_slice %arg12[%add3A_15, %dma_wait3A_326] : memref<10112x64xf32, #tpu.memory_space<vmem_shared>> -> memref<120x64xf32, #tpu.memory_space<vmem_shared>>
      %dma_wait3A_328 = arith.constant 0 : i32
      %dma_wait3A_329 = tpu.memref_slice %arg12[%add3A_15, %dma_wait3A_328] : memref<10112x64xf32, #tpu.memory_space<vmem_shared>> -> memref<120x64xf32, #tpu.memory_space<vmem_shared>>
      %dma_wait3A_330 = arith.constant 0 : i32
      %dma_wait3A_331 = arith.constant 0 : i32
      %dma_wait3A_332 = tpu.memref_slice %arg8[%dma_wait3A_330, %dma_wait3A_331] : memref<128x64xf32, #tpu.memory_space<vmem>> -> memref<120x64xf32, #tpu.memory_space<vmem>>
      tpu.wait_dma2 semaphore(%run_scoped3A : memref<!tpu.dma_semaphore, #tpu.memory_space<semaphore_mem>>) src(%dma_wait3A_332 : memref<120x64xf32, #tpu.memory_space<vmem>>) dst(%dma_wait3A_329 : memref<120x64xf32, #tpu.memory_space<vmem_shared>>)
      tpu.yield
    }) : () -> ()
    %barrier3A = arith.constant 0 : index
    tpu.barrier barrier_id(%barrier3A)
    %dma_start3A = arith.constant 0 : i32
    %dma_start3A_16 = arith.constant 0 : i32
    %dma_start3A_17 = tpu.memref_slice %arg6[%dma_start3A, %dma_start3A_16] : memref<160x128xi32, #tpu.memory_space<vmem>> -> memref<1x128xi32, #tpu.memory_space<vmem>>
    %dma_start3A_18 = tpu.memref_squeeze %dma_start3A_17 : memref<1x128xi32, #tpu.memory_space<vmem>> -> memref<128xi32, #tpu.memory_space<vmem>>
    %dma_start3A_19 = arith.constant 0 : i32
    %dma_start3A_20 = arith.constant 0 : i32
    %dma_start3A_21 = tpu.memref_slice %arg4[%arg0, %dma_start3A_19, %dma_start3A_20] : memref<2x10000x64xf32, #tpu.memory_space<hbm>> -> memref<1x10000x64xf32, #tpu.memory_space<hbm>>
    %dma_start3A_22 = tpu.memref_squeeze %dma_start3A_21 : memref<1x10000x64xf32, #tpu.memory_space<hbm>> -> memref<10000x64xf32, #tpu.memory_space<hbm>>
    %dma_start3A_23 = arith.constant 0 : i32
    %dma_start3A_24 = arith.constant 0 : i32
    %dma_start3A_25 = tpu.memref_slice %dma_start3A_22[%dma_start3A_23, %dma_start3A_24] : memref<10000x64xf32, #tpu.memory_space<hbm>> -> memref<10000x64xf32, #tpu.memory_space<hbm>>
    tpu.enqueue_indirect_dma source(%dma_start3A_25 : memref<10000x64xf32, #tpu.memory_space<hbm>>) target(%arg8 : memref<128x64xf32, #tpu.memory_space<vmem>>) offsets(%dma_start3A_18 : memref<128xi32, #tpu.memory_space<vmem>>) semaphore(%arg13 : memref<!tpu.dma_semaphore, #tpu.memory_space<semaphore_mem>>)
    %dma_start3A_26 = arith.constant 1 : i32
    %dma_start3A_27 = arith.constant 0 : i32
    %dma_start3A_28 = tpu.memref_slice %arg6[%dma_start3A_26, %dma_start3A_27] : memref<160x128xi32, #tpu.memory_space<vmem>> -> memref<1x128xi32, #tpu.memory_space<vmem>>
    %dma_start3A_29 = tpu.memref_squeeze %dma_start3A_28 : memref<1x128xi32, #tpu.memory_space<vmem>> -> memref<128xi32, #tpu.memory_space<vmem>>
    %dma_start3A_30 = arith.constant 0 : i32
    %dma_start3A_31 = arith.constant 0 : i32
    %dma_start3A_32 = tpu.memref_slice %arg4[%arg0, %dma_start3A_30, %dma_start3A_31] : memref<2x10000x64xf32, #tpu.memory_space<hbm>> -> memref<1x10000x64xf32, #tpu.memory_space<hbm>>
    %dma_start3A_33 = tpu.memref_squeeze %dma_start3A_32 : memref<1x10000x64xf32, #tpu.memory_space<hbm>> -> memref<10000x64xf32, #tpu.memory_space<hbm>>
    %dma_start3A_34 = arith.constant 0 : i32
    %dma_start3A_35 = arith.constant 0 : i32
    %dma_start3A_36 = tpu.memref_slice %dma_start3A_33[%dma_start3A_34, %dma_start3A_35] : memref<10000x64xf32, #tpu.memory_space<hbm>> -> memref<10000x64xf32, #tpu.memory_space<hbm>>
    tpu.enqueue_indirect_dma source(%dma_start3A_36 : memref<10000x64xf32, #tpu.memory_space<hbm>>) target(%arg9 : memref<128x64xf32, #tpu.memory_space<vmem>>) offsets(%dma_start3A_29 : memref<128xi32, #tpu.memory_space<vmem>>) semaphore(%arg14 : memref<!tpu.dma_semaphore, #tpu.memory_space<semaphore_mem>>)
    %dma_start3A_37 = arith.constant 2 : i32
    %dma_start3A_38 = arith.constant 0 : i32
    %dma_start3A_39 = tpu.memref_slice %arg6[%dma_start3A_37, %dma_start3A_38] : memref<160x128xi32, #tpu.memory_space<vmem>> -> memref<1x128xi32, #tpu.memory_space<vmem>>
    %dma_start3A_40 = tpu.memref_squeeze %dma_start3A_39 : memref<1x128xi32, #tpu.memory_space<vmem>> -> memref<128xi32, #tpu.memory_space<vmem>>
    %dma_start3A_41 = arith.constant 0 : i32
    %dma_start3A_42 = arith.constant 0 : i32
    %dma_start3A_43 = tpu.memref_slice %arg4[%arg0, %dma_start3A_41, %dma_start3A_42] : memref<2x10000x64xf32, #tpu.memory_space<hbm>> -> memref<1x10000x64xf32, #tpu.memory_space<hbm>>
    %dma_start3A_44 = tpu.memref_squeeze %dma_start3A_43 : memref<1x10000x64xf32, #tpu.memory_space<hbm>> -> memref<10000x64xf32, #tpu.memory_space<hbm>>
    %dma_start3A_45 = arith.constant 0 : i32
    %dma_start3A_46 = arith.constant 0 : i32
    %dma_start3A_47 = tpu.memref_slice %dma_start3A_44[%dma_start3A_45, %dma_start3A_46] : memref<10000x64xf32, #tpu.memory_space<hbm>> -> memref<10000x64xf32, #tpu.memory_space<hbm>>
    tpu.enqueue_indirect_dma source(%dma_start3A_47 : memref<10000x64xf32, #tpu.memory_space<hbm>>) target(%arg10 : memref<128x64xf32, #tpu.memory_space<vmem>>) offsets(%dma_start3A_40 : memref<128xi32, #tpu.memory_space<vmem>>) semaphore(%arg15 : memref<!tpu.dma_semaphore, #tpu.memory_space<semaphore_mem>>)
    %dma_wait3A = arith.constant 0 : i32
    %dma_wait3A_48 = arith.constant 0 : i32
    %dma_wait3A_49 = tpu.memref_slice %arg6[%dma_wait3A, %dma_wait3A_48] : memref<160x128xi32, #tpu.memory_space<vmem>> -> memref<1x128xi32, #tpu.memory_space<vmem>>
    %dma_wait3A_50 = tpu.memref_squeeze %dma_wait3A_49 : memref<1x128xi32, #tpu.memory_space<vmem>> -> memref<128xi32, #tpu.memory_space<vmem>>
    %dma_wait3A_51 = arith.constant 0 : i32
    %dma_wait3A_52 = arith.constant 0 : i32
    %dma_wait3A_53 = tpu.memref_slice %arg4[%arg0, %dma_wait3A_51, %dma_wait3A_52] : memref<2x10000x64xf32, #tpu.memory_space<hbm>> -> memref<1x10000x64xf32, #tpu.memory_space<hbm>>
    %dma_wait3A_54 = tpu.memref_squeeze %dma_wait3A_53 : memref<1x10000x64xf32, #tpu.memory_space<hbm>> -> memref<10000x64xf32, #tpu.memory_space<hbm>>
    %dma_wait3A_55 = arith.constant 0 : i32
    %dma_wait3A_56 = arith.constant 0 : i32
    %dma_wait3A_57 = tpu.memref_slice %dma_wait3A_54[%dma_wait3A_55, %dma_wait3A_56] : memref<10000x64xf32, #tpu.memory_space<hbm>> -> memref<10000x64xf32, #tpu.memory_space<hbm>>
    tpu.wait_indirect_dma semaphore(%arg13 : memref<!tpu.dma_semaphore, #tpu.memory_space<semaphore_mem>>) src(%dma_wait3A_57 : memref<10000x64xf32, #tpu.memory_space<hbm>>) dst(%arg8 : memref<128x64xf32, #tpu.memory_space<vmem>>)
    %dma_start3A_58 = arith.constant 0 : i32
    %dma_start3A_59 = arith.constant 0 : i32
    %dma_start3A_60 = tpu.memref_slice %arg7[%dma_start3A_58, %dma_start3A_59] : memref<160x128xi32, #tpu.memory_space<vmem>> -> memref<1x128xi32, #tpu.memory_space<vmem>>
    %dma_start3A_61 = tpu.memref_squeeze %dma_start3A_60 : memref<1x128xi32, #tpu.memory_space<vmem>> -> memref<128xi32, #tpu.memory_space<vmem>>
    %dma_start3A_62 = arith.constant 0 : i32
    %dma_start3A_63 = arith.constant 0 : i32
    %dma_start3A_64 = tpu.memref_slice %arg12[%dma_start3A_62, %dma_start3A_63] : memref<10112x64xf32, #tpu.memory_space<vmem_shared>> -> memref<10112x64xf32, #tpu.memory_space<vmem_shared>>
    tpu.enqueue_indirect_dma source(%arg8 : memref<128x64xf32, #tpu.memory_space<vmem>>) target(%dma_start3A_64 : memref<10112x64xf32, #tpu.memory_space<vmem_shared>>) offsets(%dma_start3A_61 : memref<128xi32, #tpu.memory_space<vmem>>) semaphore(%arg17 : memref<!tpu.dma_semaphore, #tpu.memory_space<semaphore_mem>>) {add = true}
    %dma_start3A_65 = arith.constant 3 : i32
    %dma_start3A_66 = arith.constant 0 : i32
    %dma_start3A_67 = tpu.memref_slice %arg6[%dma_start3A_65, %dma_start3A_66] : memref<160x128xi32, #tpu.memory_space<vmem>> -> memref<1x128xi32, #tpu.memory_space<vmem>>
    %dma_start3A_68 = tpu.memref_squeeze %dma_start3A_67 : memref<1x128xi32, #tpu.memory_space<vmem>> -> memref<128xi32, #tpu.memory_space<vmem>>
    %dma_start3A_69 = arith.constant 0 : i32
    %dma_start3A_70 = arith.constant 0 : i32
    %dma_start3A_71 = tpu.memref_slice %arg4[%arg0, %dma_start3A_69, %dma_start3A_70] : memref<2x10000x64xf32, #tpu.memory_space<hbm>> -> memref<1x10000x64xf32, #tpu.memory_space<hbm>>
    %dma_start3A_72 = tpu.memref_squeeze %dma_start3A_71 : memref<1x10000x64xf32, #tpu.memory_space<hbm>> -> memref<10000x64xf32, #tpu.memory_space<hbm>>
    %dma_start3A_73 = arith.constant 0 : i32
    %dma_start3A_74 = arith.constant 0 : i32
    %dma_start3A_75 = tpu.memref_slice %dma_start3A_72[%dma_start3A_73, %dma_start3A_74] : memref<10000x64xf32, #tpu.memory_space<hbm>> -> memref<10000x64xf32, #tpu.memory_space<hbm>>
    tpu.enqueue_indirect_dma source(%dma_start3A_75 : memref<10000x64xf32, #tpu.memory_space<hbm>>) target(%arg11 : memref<128x64xf32, #tpu.memory_space<vmem>>) offsets(%dma_start3A_68 : memref<128xi32, #tpu.memory_space<vmem>>) semaphore(%arg16 : memref<!tpu.dma_semaphore, #tpu.memory_space<semaphore_mem>>)
    %dma_wait3A_76 = arith.constant 0 : i32
    %dma_wait3A_77 = arith.constant 0 : i32
    %dma_wait3A_78 = tpu.memref_slice %arg6[%dma_wait3A_76, %dma_wait3A_77] : memref<160x128xi32, #tpu.memory_space<vmem>> -> memref<1x128xi32, #tpu.memory_space<vmem>>
    %dma_wait3A_79 = tpu.memref_squeeze %dma_wait3A_78 : memref<1x128xi32, #tpu.memory_space<vmem>> -> memref<128xi32, #tpu.memory_space<vmem>>
    %dma_wait3A_80 = arith.constant 0 : i32
    %dma_wait3A_81 = arith.constant 0 : i32
    %dma_wait3A_82 = tpu.memref_slice %arg4[%arg0, %dma_wait3A_80, %dma_wait3A_81] : memref<2x10000x64xf32, #tpu.memory_space<hbm>> -> memref<1x10000x64xf32, #tpu.memory_space<hbm>>
    %dma_wait3A_83 = tpu.memref_squeeze %dma_wait3A_82 : memref<1x10000x64xf32, #tpu.memory_space<hbm>> -> memref<10000x64xf32, #tpu.memory_space<hbm>>
    %dma_wait3A_84 = arith.constant 0 : i32
    %dma_wait3A_85 = arith.constant 0 : i32
    %dma_wait3A_86 = tpu.memref_slice %dma_wait3A_83[%dma_wait3A_84, %dma_wait3A_85] : memref<10000x64xf32, #tpu.memory_space<hbm>> -> memref<10000x64xf32, #tpu.memory_space<hbm>>
    tpu.wait_indirect_dma semaphore(%arg14 : memref<!tpu.dma_semaphore, #tpu.memory_space<semaphore_mem>>) src(%dma_wait3A_86 : memref<10000x64xf32, #tpu.memory_space<hbm>>) dst(%arg9 : memref<128x64xf32, #tpu.memory_space<vmem>>)
    %dma_start3A_87 = arith.constant 1 : i32
    %dma_start3A_88 = arith.constant 0 : i32
    %dma_start3A_89 = tpu.memref_slice %arg7[%dma_start3A_87, %dma_start3A_88] : memref<160x128xi32, #tpu.memory_space<vmem>> -> memref<1x128xi32, #tpu.memory_space<vmem>>
    %dma_start3A_90 = tpu.memref_squeeze %dma_start3A_89 : memref<1x128xi32, #tpu.memory_space<vmem>> -> memref<128xi32, #tpu.memory_space<vmem>>
    %dma_start3A_91 = arith.constant 0 : i32
    %dma_start3A_92 = arith.constant 0 : i32
    %dma_start3A_93 = tpu.memref_slice %arg12[%dma_start3A_91, %dma_start3A_92] : memref<10112x64xf32, #tpu.memory_space<vmem_shared>> -> memref<10112x64xf32, #tpu.memory_space<vmem_shared>>
    tpu.enqueue_indirect_dma source(%arg9 : memref<128x64xf32, #tpu.memory_space<vmem>>) target(%dma_start3A_93 : memref<10112x64xf32, #tpu.memory_space<vmem_shared>>) offsets(%dma_start3A_90 : memref<128xi32, #tpu.memory_space<vmem>>) semaphore(%arg18 : memref<!tpu.dma_semaphore, #tpu.memory_space<semaphore_mem>>) {add = true}
    %dma_wait3A_94 = arith.constant 0 : i32
    %dma_wait3A_95 = arith.constant 0 : i32
    %dma_wait3A_96 = tpu.memref_slice %arg7[%dma_wait3A_94, %dma_wait3A_95] : memref<160x128xi32, #tpu.memory_space<vmem>> -> memref<1x128xi32, #tpu.memory_space<vmem>>
    %dma_wait3A_97 = tpu.memref_squeeze %dma_wait3A_96 : memref<1x128xi32, #tpu.memory_space<vmem>> -> memref<128xi32, #tpu.memory_space<vmem>>
    %dma_wait3A_98 = arith.constant 0 : i32
    %dma_wait3A_99 = arith.constant 0 : i32
    %dma_wait3A_100 = tpu.memref_slice %arg12[%dma_wait3A_98, %dma_wait3A_99] : memref<10112x64xf32, #tpu.memory_space<vmem_shared>> -> memref<10112x64xf32, #tpu.memory_space<vmem_shared>>
    tpu.wait_indirect_dma semaphore(%arg17 : memref<!tpu.dma_semaphore, #tpu.memory_space<semaphore_mem>>) src(%arg8 : memref<128x64xf32, #tpu.memory_space<vmem>>) dst(%dma_wait3A_100 : memref<10112x64xf32, #tpu.memory_space<vmem_shared>>)
    %dma_start3A_101 = arith.constant 4 : i32
    %dma_start3A_102 = arith.constant 0 : i32
    %dma_start3A_103 = tpu.memref_slice %arg6[%dma_start3A_101, %dma_start3A_102] : memref<160x128xi32, #tpu.memory_space<vmem>> -> memref<1x128xi32, #tpu.memory_space<vmem>>
    %dma_start3A_104 = tpu.memref_squeeze %dma_start3A_103 : memref<1x128xi32, #tpu.memory_space<vmem>> -> memref<128xi32, #tpu.memory_space<vmem>>
    %dma_start3A_105 = arith.constant 0 : i32
    %dma_start3A_106 = arith.constant 0 : i32
    %dma_start3A_107 = tpu.memref_slice %arg4[%arg0, %dma_start3A_105, %dma_start3A_106] : memref<2x10000x64xf32, #tpu.memory_space<hbm>> -> memref<1x10000x64xf32, #tpu.memory_space<hbm>>
    %dma_start3A_108 = tpu.memref_squeeze %dma_start3A_107 : memref<1x10000x64xf32, #tpu.memory_space<hbm>> -> memref<10000x64xf32, #tpu.memory_space<hbm>>
    %dma_start3A_109 = arith.constant 0 : i32
    %dma_start3A_110 = arith.constant 0 : i32
    %dma_start3A_111 = tpu.memref_slice %dma_start3A_108[%dma_start3A_109, %dma_start3A_110] : memref<10000x64xf32, #tpu.memory_space<hbm>> -> memref<10000x64xf32, #tpu.memory_space<hbm>>
    tpu.enqueue_indirect_dma source(%dma_start3A_111 : memref<10000x64xf32, #tpu.memory_space<hbm>>) target(%arg8 : memref<128x64xf32, #tpu.memory_space<vmem>>) offsets(%dma_start3A_104 : memref<128xi32, #tpu.memory_space<vmem>>) semaphore(%arg13 : memref<!tpu.dma_semaphore, #tpu.memory_space<semaphore_mem>>)
    %dma_wait3A_112 = arith.constant 0 : i32
    %dma_wait3A_113 = arith.constant 0 : i32
    %dma_wait3A_114 = tpu.memref_slice %arg6[%dma_wait3A_112, %dma_wait3A_113] : memref<160x128xi32, #tpu.memory_space<vmem>> -> memref<1x128xi32, #tpu.memory_space<vmem>>
    %dma_wait3A_115 = tpu.memref_squeeze %dma_wait3A_114 : memref<1x128xi32, #tpu.memory_space<vmem>> -> memref<128xi32, #tpu.memory_space<vmem>>
    %dma_wait3A_116 = arith.constant 0 : i32
    %dma_wait3A_117 = arith.constant 0 : i32
    %dma_wait3A_118 = tpu.memref_slice %arg4[%arg0, %dma_wait3A_116, %dma_wait3A_117] : memref<2x10000x64xf32, #tpu.memory_space<hbm>> -> memref<1x10000x64xf32, #tpu.memory_space<hbm>>
    %dma_wait3A_119 = tpu.memref_squeeze %dma_wait3A_118 : memref<1x10000x64xf32, #tpu.memory_space<hbm>> -> memref<10000x64xf32, #tpu.memory_space<hbm>>
    %dma_wait3A_120 = arith.constant 0 : i32
    %dma_wait3A_121 = arith.constant 0 : i32
    %dma_wait3A_122 = tpu.memref_slice %dma_wait3A_119[%dma_wait3A_120, %dma_wait3A_121] : memref<10000x64xf32, #tpu.memory_space<hbm>> -> memref<10000x64xf32, #tpu.memory_space<hbm>>
    tpu.wait_indirect_dma semaphore(%arg15 : memref<!tpu.dma_semaphore, #tpu.memory_space<semaphore_mem>>) src(%dma_wait3A_122 : memref<10000x64xf32, #tpu.memory_space<hbm>>) dst(%arg10 : memref<128x64xf32, #tpu.memory_space<vmem>>)
    %dma_start3A_123 = arith.constant 2 : i32
    %dma_start3A_124 = arith.constant 0 : i32
    %dma_start3A_125 = tpu.memref_slice %arg7[%dma_start3A_123, %dma_start3A_124] : memref<160x128xi32, #tpu.memory_space<vmem>> -> memref<1x128xi32, #tpu.memory_space<vmem>>
    %dma_start3A_126 = tpu.memref_squeeze %dma_start3A_125 : memref<1x128xi32, #tpu.memory_space<vmem>> -> memref<128xi32, #tpu.memory_space<vmem>>
    %dma_start3A_127 = arith.constant 0 : i32
    %dma_start3A_128 = arith.constant 0 : i32
    %dma_start3A_129 = tpu.memref_slice %arg12[%dma_start3A_127, %dma_start3A_128] : memref<10112x64xf32, #tpu.memory_space<vmem_shared>> -> memref<10112x64xf32, #tpu.memory_space<vmem_shared>>
    tpu.enqueue_indirect_dma source(%arg10 : memref<128x64xf32, #tpu.memory_space<vmem>>) target(%dma_start3A_129 : memref<10112x64xf32, #tpu.memory_space<vmem_shared>>) offsets(%dma_start3A_126 : memref<128xi32, #tpu.memory_space<vmem>>) semaphore(%arg19 : memref<!tpu.dma_semaphore, #tpu.memory_space<semaphore_mem>>) {add = true}
    %dma_wait3A_130 = arith.constant 0 : i32
    %dma_wait3A_131 = arith.constant 0 : i32
    %dma_wait3A_132 = tpu.memref_slice %arg7[%dma_wait3A_130, %dma_wait3A_131] : memref<160x128xi32, #tpu.memory_space<vmem>> -> memref<1x128xi32, #tpu.memory_space<vmem>>
    %dma_wait3A_133 = tpu.memref_squeeze %dma_wait3A_132 : memref<1x128xi32, #tpu.memory_space<vmem>> -> memref<128xi32, #tpu.memory_space<vmem>>
    %dma_wait3A_134 = arith.constant 0 : i32
    %dma_wait3A_135 = arith.constant 0 : i32
    %dma_wait3A_136 = tpu.memref_slice %arg12[%dma_wait3A_134, %dma_wait3A_135] : memref<10112x64xf32, #tpu.memory_space<vmem_shared>> -> memref<10112x64xf32, #tpu.memory_space<vmem_shared>>
    tpu.wait_indirect_dma semaphore(%arg18 : memref<!tpu.dma_semaphore, #tpu.memory_space<semaphore_mem>>) src(%arg9 : memref<128x64xf32, #tpu.memory_space<vmem>>) dst(%dma_wait3A_136 : memref<10112x64xf32, #tpu.memory_space<vmem_shared>>)
    %dma_start3A_137 = arith.constant 5 : i32
    %dma_start3A_138 = arith.constant 0 : i32
    %dma_start3A_139 = tpu.memref_slice %arg6[%dma_start3A_137, %dma_start3A_138] : memref<160x128xi32, #tpu.memory_space<vmem>> -> memref<1x128xi32, #tpu.memory_space<vmem>>
    %dma_start3A_140 = tpu.memref_squeeze %dma_start3A_139 : memref<1x128xi32, #tpu.memory_space<vmem>> -> memref<128xi32, #tpu.memory_space<vmem>>
    %dma_start3A_141 = arith.constant 0 : i32
    %dma_start3A_142 = arith.constant 0 : i32
    %dma_start3A_143 = tpu.memref_slice %arg4[%arg0, %dma_start3A_141, %dma_start3A_142] : memref<2x10000x64xf32, #tpu.memory_space<hbm>> -> memref<1x10000x64xf32, #tpu.memory_space<hbm>>
    %dma_start3A_144 = tpu.memref_squeeze %dma_start3A_143 : memref<1x10000x64xf32, #tpu.memory_space<hbm>> -> memref<10000x64xf32, #tpu.memory_space<hbm>>
    %dma_start3A_145 = arith.constant 0 : i32
    %dma_start3A_146 = arith.constant 0 : i32
    %dma_start3A_147 = tpu.memref_slice %dma_start3A_144[%dma_start3A_145, %dma_start3A_146] : memref<10000x64xf32, #tpu.memory_space<hbm>> -> memref<10000x64xf32, #tpu.memory_space<hbm>>
    tpu.enqueue_indirect_dma source(%dma_start3A_147 : memref<10000x64xf32, #tpu.memory_space<hbm>>) target(%arg9 : memref<128x64xf32, #tpu.memory_space<vmem>>) offsets(%dma_start3A_140 : memref<128xi32, #tpu.memory_space<vmem>>) semaphore(%arg14 : memref<!tpu.dma_semaphore, #tpu.memory_space<semaphore_mem>>)
    %dma_wait3A_148 = arith.constant 0 : i32
    %dma_wait3A_149 = arith.constant 0 : i32
    %dma_wait3A_150 = tpu.memref_slice %arg6[%dma_wait3A_148, %dma_wait3A_149] : memref<160x128xi32, #tpu.memory_space<vmem>> -> memref<1x128xi32, #tpu.memory_space<vmem>>
    %dma_wait3A_151 = tpu.memref_squeeze %dma_wait3A_150 : memref<1x128xi32, #tpu.memory_space<vmem>> -> memref<128xi32, #tpu.memory_space<vmem>>
    %dma_wait3A_152 = arith.constant 0 : i32
    %dma_wait3A_153 = arith.constant 0 : i32
    %dma_wait3A_154 = tpu.memref_slice %arg4[%arg0, %dma_wait3A_152, %dma_wait3A_153] : memref<2x10000x64xf32, #tpu.memory_space<hbm>> -> memref<1x10000x64xf32, #tpu.memory_space<hbm>>
    %dma_wait3A_155 = tpu.memref_squeeze %dma_wait3A_154 : memref<1x10000x64xf32, #tpu.memory_space<hbm>> -> memref<10000x64xf32, #tpu.memory_space<hbm>>
    %dma_wait3A_156 = arith.constant 0 : i32
    %dma_wait3A_157 = arith.constant 0 : i32
    %dma_wait3A_158 = tpu.memref_slice %dma_wait3A_155[%dma_wait3A_156, %dma_wait3A_157] : memref<10000x64xf32, #tpu.memory_space<hbm>> -> memref<10000x64xf32, #tpu.memory_space<hbm>>
    tpu.wait_indirect_dma semaphore(%arg16 : memref<!tpu.dma_semaphore, #tpu.memory_space<semaphore_mem>>) src(%dma_wait3A_158 : memref<10000x64xf32, #tpu.memory_space<hbm>>) dst(%arg11 : memref<128x64xf32, #tpu.memory_space<vmem>>)
    %dma_start3A_159 = arith.constant 3 : i32
    %dma_start3A_160 = arith.constant 0 : i32
    %dma_start3A_161 = tpu.memref_slice %arg7[%dma_start3A_159, %dma_start3A_160] : memref<160x128xi32, #tpu.memory_space<vmem>> -> memref<1x128xi32, #tpu.memory_space<vmem>>
    %dma_start3A_162 = tpu.memref_squeeze %dma_start3A_161 : memref<1x128xi32, #tpu.memory_space<vmem>> -> memref<128xi32, #tpu.memory_space<vmem>>
    %dma_start3A_163 = arith.constant 0 : i32
    %dma_start3A_164 = arith.constant 0 : i32
    %dma_start3A_165 = tpu.memref_slice %arg12[%dma_start3A_163, %dma_start3A_164] : memref<10112x64xf32, #tpu.memory_space<vmem_shared>> -> memref<10112x64xf32, #tpu.memory_space<vmem_shared>>
    tpu.enqueue_indirect_dma source(%arg11 : memref<128x64xf32, #tpu.memory_space<vmem>>) target(%dma_start3A_165 : memref<10112x64xf32, #tpu.memory_space<vmem_shared>>) offsets(%dma_start3A_162 : memref<128xi32, #tpu.memory_space<vmem>>) semaphore(%arg20 : memref<!tpu.dma_semaphore, #tpu.memory_space<semaphore_mem>>) {add = true}
    %scan3A_166 = arith.constant 0 : i32
    %scan3A_167 = arith.constant 1 : i32
    %scan3A_168 = arith.constant 38 : i32
    %scan3A_169 = arith.addi %scan3A_167, %scan3A_168 : i32
    %scan3A_170 = arith.constant 1 : i32
    scf.for %scan3A_313 = %scan3A_167 to %scan3A_169 step %scan3A_170  : i32 {
      %mul3A_314 = arith.constant 4 : i32
      %mul3A_315 = arith.muli %scan3A_313, %mul3A_314 : i32
      %add3A_316 = arith.constant 0 : i32
      %add3A_317 = arith.addi %mul3A_315, %add3A_316 : i32
      %dma_wait3A_318 = arith.constant 0 : i32
      %dma_wait3A_319 = arith.constant 0 : i32
      %dma_wait3A_320 = tpu.memref_slice %arg7[%dma_wait3A_318, %dma_wait3A_319] : memref<160x128xi32, #tpu.memory_space<vmem>> -> memref<1x128xi32, #tpu.memory_space<vmem>>
      %dma_wait3A_321 = tpu.memref_squeeze %dma_wait3A_320 : memref<1x128xi32, #tpu.memory_space<vmem>> -> memref<128xi32, #tpu.memory_space<vmem>>
      %dma_wait3A_322 = arith.constant 0 : i32
      %dma_wait3A_323 = arith.constant 0 : i32
      %dma_wait3A_324 = tpu.memref_slice %arg12[%dma_wait3A_322, %dma_wait3A_323] : memref<10112x64xf32, #tpu.memory_space<vmem_shared>> -> memref<10112x64xf32, #tpu.memory_space<vmem_shared>>
      tpu.wait_indirect_dma semaphore(%arg19 : memref<!tpu.dma_semaphore, #tpu.memory_space<semaphore_mem>>) src(%arg10 : memref<128x64xf32, #tpu.memory_space<vmem>>) dst(%dma_wait3A_324 : memref<10112x64xf32, #tpu.memory_space<vmem_shared>>)
      %add3A_325 = arith.constant 2 : i32
      %add3A_326 = arith.addi %add3A_317, %add3A_325 : i32
      %dma_start3A_327 = arith.constant 0 : i32
      %dma_start3A_328 = tpu.memref_slice %arg6[%add3A_326, %dma_start3A_327] : memref<160x128xi32, #tpu.memory_space<vmem>> -> memref<1x128xi32, #tpu.memory_space<vmem>>
      %dma_start3A_329 = tpu.memref_squeeze %dma_start3A_328 : memref<1x128xi32, #tpu.memory_space<vmem>> -> memref<128xi32, #tpu.memory_space<vmem>>
      %dma_start3A_330 = arith.constant 0 : i32
      %dma_start3A_331 = arith.constant 0 : i32
      %dma_start3A_332 = tpu.memref_slice %arg4[%arg0, %dma_start3A_330, %dma_start3A_331] : memref<2x10000x64xf32, #tpu.memory_space<hbm>> -> memref<1x10000x64xf32, #tpu.memory_space<hbm>>
      %dma_start3A_333 = tpu.memref_squeeze %dma_start3A_332 : memref<1x10000x64xf32, #tpu.memory_space<hbm>> -> memref<10000x64xf32, #tpu.memory_space<hbm>>
      %dma_start3A_334 = arith.constant 0 : i32
      %dma_start3A_335 = arith.constant 0 : i32
      %dma_start3A_336 = tpu.memref_slice %dma_start3A_333[%dma_start3A_334, %dma_start3A_335] : memref<10000x64xf32, #tpu.memory_space<hbm>> -> memref<10000x64xf32, #tpu.memory_space<hbm>>
      tpu.enqueue_indirect_dma source(%dma_start3A_336 : memref<10000x64xf32, #tpu.memory_space<hbm>>) target(%arg10 : memref<128x64xf32, #tpu.memory_space<vmem>>) offsets(%dma_start3A_329 : memref<128xi32, #tpu.memory_space<vmem>>) semaphore(%arg15 : memref<!tpu.dma_semaphore, #tpu.memory_space<semaphore_mem>>)
      %dma_wait3A_337 = arith.constant 0 : i32
      %dma_wait3A_338 = arith.constant 0 : i32
      %dma_wait3A_339 = tpu.memref_slice %arg6[%dma_wait3A_337, %dma_wait3A_338] : memref<160x128xi32, #tpu.memory_space<vmem>> -> memref<1x128xi32, #tpu.memory_space<vmem>>
      %dma_wait3A_340 = tpu.memref_squeeze %dma_wait3A_339 : memref<1x128xi32, #tpu.memory_space<vmem>> -> memref<128xi32, #tpu.memory_space<vmem>>
      %dma_wait3A_341 = arith.constant 0 : i32
      %dma_wait3A_342 = arith.constant 0 : i32
      %dma_wait3A_343 = tpu.memref_slice %arg4[%arg0, %dma_wait3A_341, %dma_wait3A_342] : memref<2x10000x64xf32, #tpu.memory_space<hbm>> -> memref<1x10000x64xf32, #tpu.memory_space<hbm>>
      %dma_wait3A_344 = tpu.memref_squeeze %dma_wait3A_343 : memref<1x10000x64xf32, #tpu.memory_space<hbm>> -> memref<10000x64xf32, #tpu.memory_space<hbm>>
      %dma_wait3A_345 = arith.constant 0 : i32
      %dma_wait3A_346 = arith.constant 0 : i32
      %dma_wait3A_347 = tpu.memref_slice %dma_wait3A_344[%dma_wait3A_345, %dma_wait3A_346] : memref<10000x64xf32, #tpu.memory_space<hbm>> -> memref<10000x64xf32, #tpu.memory_space<hbm>>
      tpu.wait_indirect_dma semaphore(%arg13 : memref<!tpu.dma_semaphore, #tpu.memory_space<semaphore_mem>>) src(%dma_wait3A_347 : memref<10000x64xf32, #tpu.memory_space<hbm>>) dst(%arg8 : memref<128x64xf32, #tpu.memory_space<vmem>>)
      %dma_start3A_348 = arith.constant 0 : i32
      %dma_start3A_349 = tpu.memref_slice %arg7[%add3A_317, %dma_start3A_348] : memref<160x128xi32, #tpu.memory_space<vmem>> -> memref<1x128xi32, #tpu.memory_space<vmem>>
      %dma_start3A_350 = tpu.memref_squeeze %dma_start3A_349 : memref<1x128xi32, #tpu.memory_space<vmem>> -> memref<128xi32, #tpu.memory_space<vmem>>
      %dma_start3A_351 = arith.constant 0 : i32
      %dma_start3A_352 = arith.constant 0 : i32
      %dma_start3A_353 = tpu.memref_slice %arg12[%dma_start3A_351, %dma_start3A_352] : memref<10112x64xf32, #tpu.memory_space<vmem_shared>> -> memref<10112x64xf32, #tpu.memory_space<vmem_shared>>
      tpu.enqueue_indirect_dma source(%arg8 : memref<128x64xf32, #tpu.memory_space<vmem>>) target(%dma_start3A_353 : memref<10112x64xf32, #tpu.memory_space<vmem_shared>>) offsets(%dma_start3A_350 : memref<128xi32, #tpu.memory_space<vmem>>) semaphore(%arg17 : memref<!tpu.dma_semaphore, #tpu.memory_space<semaphore_mem>>) {add = true}
      %add3A_354 = arith.constant 1 : i32
      %add3A_355 = arith.addi %mul3A_315, %add3A_354 : i32
      %dma_wait3A_356 = arith.constant 0 : i32
      %dma_wait3A_357 = arith.constant 0 : i32
      %dma_wait3A_358 = tpu.memref_slice %arg7[%dma_wait3A_356, %dma_wait3A_357] : memref<160x128xi32, #tpu.memory_space<vmem>> -> memref<1x128xi32, #tpu.memory_space<vmem>>
      %dma_wait3A_359 = tpu.memref_squeeze %dma_wait3A_358 : memref<1x128xi32, #tpu.memory_space<vmem>> -> memref<128xi32, #tpu.memory_space<vmem>>
      %dma_wait3A_360 = arith.constant 0 : i32
      %dma_wait3A_361 = arith.constant 0 : i32
      %dma_wait3A_362 = tpu.memref_slice %arg12[%dma_wait3A_360, %dma_wait3A_361] : memref<10112x64xf32, #tpu.memory_space<vmem_shared>> -> memref<10112x64xf32, #tpu.memory_space<vmem_shared>>
      tpu.wait_indirect_dma semaphore(%arg20 : memref<!tpu.dma_semaphore, #tpu.memory_space<semaphore_mem>>) src(%arg11 : memref<128x64xf32, #tpu.memory_space<vmem>>) dst(%dma_wait3A_362 : memref<10112x64xf32, #tpu.memory_space<vmem_shared>>)
      %add3A_363 = arith.constant 2 : i32
      %add3A_364 = arith.addi %add3A_355, %add3A_363 : i32
      %dma_start3A_365 = arith.constant 0 : i32
      %dma_start3A_366 = tpu.memref_slice %arg6[%add3A_364, %dma_start3A_365] : memref<160x128xi32, #tpu.memory_space<vmem>> -> memref<1x128xi32, #tpu.memory_space<vmem>>
      %dma_start3A_367 = tpu.memref_squeeze %dma_start3A_366 : memref<1x128xi32, #tpu.memory_space<vmem>> -> memref<128xi32, #tpu.memory_space<vmem>>
      %dma_start3A_368 = arith.constant 0 : i32
      %dma_start3A_369 = arith.constant 0 : i32
      %dma_start3A_370 = tpu.memref_slice %arg4[%arg0, %dma_start3A_368, %dma_start3A_369] : memref<2x10000x64xf32, #tpu.memory_space<hbm>> -> memref<1x10000x64xf32, #tpu.memory_space<hbm>>
      %dma_start3A_371 = tpu.memref_squeeze %dma_start3A_370 : memref<1x10000x64xf32, #tpu.memory_space<hbm>> -> memref<10000x64xf32, #tpu.memory_space<hbm>>
      %dma_start3A_372 = arith.constant 0 : i32
      %dma_start3A_373 = arith.constant 0 : i32
      %dma_start3A_374 = tpu.memref_slice %dma_start3A_371[%dma_start3A_372, %dma_start3A_373] : memref<10000x64xf32, #tpu.memory_space<hbm>> -> memref<10000x64xf32, #tpu.memory_space<hbm>>
      tpu.enqueue_indirect_dma source(%dma_start3A_374 : memref<10000x64xf32, #tpu.memory_space<hbm>>) target(%arg11 : memref<128x64xf32, #tpu.memory_space<vmem>>) offsets(%dma_start3A_367 : memref<128xi32, #tpu.memory_space<vmem>>) semaphore(%arg16 : memref<!tpu.dma_semaphore, #tpu.memory_space<semaphore_mem>>)
      %dma_wait3A_375 = arith.constant 0 : i32
      %dma_wait3A_376 = arith.constant 0 : i32
      %dma_wait3A_377 = tpu.memref_slice %arg6[%dma_wait3A_375, %dma_wait3A_376] : memref<160x128xi32, #tpu.memory_space<vmem>> -> memref<1x128xi32, #tpu.memory_space<vmem>>
      %dma_wait3A_378 = tpu.memref_squeeze %dma_wait3A_377 : memref<1x128xi32, #tpu.memory_space<vmem>> -> memref<128xi32, #tpu.memory_space<vmem>>
      %dma_wait3A_379 = arith.constant 0 : i32
      %dma_wait3A_380 = arith.constant 0 : i32
      %dma_wait3A_381 = tpu.memref_slice %arg4[%arg0, %dma_wait3A_379, %dma_wait3A_380] : memref<2x10000x64xf32, #tpu.memory_space<hbm>> -> memref<1x10000x64xf32, #tpu.memory_space<hbm>>
      %dma_wait3A_382 = tpu.memref_squeeze %dma_wait3A_381 : memref<1x10000x64xf32, #tpu.memory_space<hbm>> -> memref<10000x64xf32, #tpu.memory_space<hbm>>
      %dma_wait3A_383 = arith.constant 0 : i32
      %dma_wait3A_384 = arith.constant 0 : i32
      %dma_wait3A_385 = tpu.memref_slice %dma_wait3A_382[%dma_wait3A_383, %dma_wait3A_384] : memref<10000x64xf32, #tpu.memory_space<hbm>> -> memref<10000x64xf32, #tpu.memory_space<hbm>>
      tpu.wait_indirect_dma semaphore(%arg14 : memref<!tpu.dma_semaphore, #tpu.memory_space<semaphore_mem>>) src(%dma_wait3A_385 : memref<10000x64xf32, #tpu.memory_space<hbm>>) dst(%arg9 : memref<128x64xf32, #tpu.memory_space<vmem>>)
      %dma_start3A_386 = arith.constant 0 : i32
      %dma_start3A_387 = tpu.memref_slice %arg7[%add3A_355, %dma_start3A_386] : memref<160x128xi32, #tpu.memory_space<vmem>> -> memref<1x128xi32, #tpu.memory_space<vmem>>
      %dma_start3A_388 = tpu.memref_squeeze %dma_start3A_387 : memref<1x128xi32, #tpu.memory_space<vmem>> -> memref<128xi32, #tpu.memory_space<vmem>>
      %dma_start3A_389 = arith.constant 0 : i32
      %dma_start3A_390 = arith.constant 0 : i32
      %dma_start3A_391 = tpu.memref_slice %arg12[%dma_start3A_389, %dma_start3A_390] : memref<10112x64xf32, #tpu.memory_space<vmem_shared>> -> memref<10112x64xf32, #tpu.memory_space<vmem_shared>>
      tpu.enqueue_indirect_dma source(%arg9 : memref<128x64xf32, #tpu.memory_space<vmem>>) target(%dma_start3A_391 : memref<10112x64xf32, #tpu.memory_space<vmem_shared>>) offsets(%dma_start3A_388 : memref<128xi32, #tpu.memory_space<vmem>>) semaphore(%arg18 : memref<!tpu.dma_semaphore, #tpu.memory_space<semaphore_mem>>) {add = true}
      %add3A_392 = arith.constant 2 : i32
      %add3A_393 = arith.addi %mul3A_315, %add3A_392 : i32
      %dma_wait3A_394 = arith.constant 0 : i32
      %dma_wait3A_395 = arith.constant 0 : i32
      %dma_wait3A_396 = tpu.memref_slice %arg7[%dma_wait3A_394, %dma_wait3A_395] : memref<160x128xi32, #tpu.memory_space<vmem>> -> memref<1x128xi32, #tpu.memory_space<vmem>>
      %dma_wait3A_397 = tpu.memref_squeeze %dma_wait3A_396 : memref<1x128xi32, #tpu.memory_space<vmem>> -> memref<128xi32, #tpu.memory_space<vmem>>
      %dma_wait3A_398 = arith.constant 0 : i32
      %dma_wait3A_399 = arith.constant 0 : i32
      %dma_wait3A_400 = tpu.memref_slice %arg12[%dma_wait3A_398, %dma_wait3A_399] : memref<10112x64xf32, #tpu.memory_space<vmem_shared>> -> memref<10112x64xf32, #tpu.memory_space<vmem_shared>>
      tpu.wait_indirect_dma semaphore(%arg17 : memref<!tpu.dma_semaphore, #tpu.memory_space<semaphore_mem>>) src(%arg8 : memref<128x64xf32, #tpu.memory_space<vmem>>) dst(%dma_wait3A_400 : memref<10112x64xf32, #tpu.memory_space<vmem_shared>>)
      %add3A_401 = arith.constant 2 : i32
      %add3A_402 = arith.addi %add3A_393, %add3A_401 : i32
      %dma_start3A_403 = arith.constant 0 : i32
      %dma_start3A_404 = tpu.memref_slice %arg6[%add3A_402, %dma_start3A_403] : memref<160x128xi32, #tpu.memory_space<vmem>> -> memref<1x128xi32, #tpu.memory_space<vmem>>
      %dma_start3A_405 = tpu.memref_squeeze %dma_start3A_404 : memref<1x128xi32, #tpu.memory_space<vmem>> -> memref<128xi32, #tpu.memory_space<vmem>>
      %dma_start3A_406 = arith.constant 0 : i32
      %dma_start3A_407 = arith.constant 0 : i32
      %dma_start3A_408 = tpu.memref_slice %arg4[%arg0, %dma_start3A_406, %dma_start3A_407] : memref<2x10000x64xf32, #tpu.memory_space<hbm>> -> memref<1x10000x64xf32, #tpu.memory_space<hbm>>
      %dma_start3A_409 = tpu.memref_squeeze %dma_start3A_408 : memref<1x10000x64xf32, #tpu.memory_space<hbm>> -> memref<10000x64xf32, #tpu.memory_space<hbm>>
      %dma_start3A_410 = arith.constant 0 : i32
      %dma_start3A_411 = arith.constant 0 : i32
      %dma_start3A_412 = tpu.memref_slice %dma_start3A_409[%dma_start3A_410, %dma_start3A_411] : memref<10000x64xf32, #tpu.memory_space<hbm>> -> memref<10000x64xf32, #tpu.memory_space<hbm>>
      tpu.enqueue_indirect_dma source(%dma_start3A_412 : memref<10000x64xf32, #tpu.memory_space<hbm>>) target(%arg8 : memref<128x64xf32, #tpu.memory_space<vmem>>) offsets(%dma_start3A_405 : memref<128xi32, #tpu.memory_space<vmem>>) semaphore(%arg13 : memref<!tpu.dma_semaphore, #tpu.memory_space<semaphore_mem>>)
      %dma_wait3A_413 = arith.constant 0 : i32
      %dma_wait3A_414 = arith.constant 0 : i32
      %dma_wait3A_415 = tpu.memref_slice %arg6[%dma_wait3A_413, %dma_wait3A_414] : memref<160x128xi32, #tpu.memory_space<vmem>> -> memref<1x128xi32, #tpu.memory_space<vmem>>
      %dma_wait3A_416 = tpu.memref_squeeze %dma_wait3A_415 : memref<1x128xi32, #tpu.memory_space<vmem>> -> memref<128xi32, #tpu.memory_space<vmem>>
      %dma_wait3A_417 = arith.constant 0 : i32
      %dma_wait3A_418 = arith.constant 0 : i32
      %dma_wait3A_419 = tpu.memref_slice %arg4[%arg0, %dma_wait3A_417, %dma_wait3A_418] : memref<2x10000x64xf32, #tpu.memory_space<hbm>> -> memref<1x10000x64xf32, #tpu.memory_space<hbm>>
      %dma_wait3A_420 = tpu.memref_squeeze %dma_wait3A_419 : memref<1x10000x64xf32, #tpu.memory_space<hbm>> -> memref<10000x64xf32, #tpu.memory_space<hbm>>
      %dma_wait3A_421 = arith.constant 0 : i32
      %dma_wait3A_422 = arith.constant 0 : i32
      %dma_wait3A_423 = tpu.memref_slice %dma_wait3A_420[%dma_wait3A_421, %dma_wait3A_422] : memref<10000x64xf32, #tpu.memory_space<hbm>> -> memref<10000x64xf32, #tpu.memory_space<hbm>>
      tpu.wait_indirect_dma semaphore(%arg15 : memref<!tpu.dma_semaphore, #tpu.memory_space<semaphore_mem>>) src(%dma_wait3A_423 : memref<10000x64xf32, #tpu.memory_space<hbm>>) dst(%arg10 : memref<128x64xf32, #tpu.memory_space<vmem>>)
      %dma_start3A_424 = arith.constant 0 : i32
      %dma_start3A_425 = tpu.memref_slice %arg7[%add3A_393, %dma_start3A_424] : memref<160x128xi32, #tpu.memory_space<vmem>> -> memref<1x128xi32, #tpu.memory_space<vmem>>
      %dma_start3A_426 = tpu.memref_squeeze %dma_start3A_425 : memref<1x128xi32, #tpu.memory_space<vmem>> -> memref<128xi32, #tpu.memory_space<vmem>>
      %dma_start3A_427 = arith.constant 0 : i32
      %dma_start3A_428 = arith.constant 0 : i32
      %dma_start3A_429 = tpu.memref_slice %arg12[%dma_start3A_427, %dma_start3A_428] : memref<10112x64xf32, #tpu.memory_space<vmem_shared>> -> memref<10112x64xf32, #tpu.memory_space<vmem_shared>>
      tpu.enqueue_indirect_dma source(%arg10 : memref<128x64xf32, #tpu.memory_space<vmem>>) target(%dma_start3A_429 : memref<10112x64xf32, #tpu.memory_space<vmem_shared>>) offsets(%dma_start3A_426 : memref<128xi32, #tpu.memory_space<vmem>>) semaphore(%arg19 : memref<!tpu.dma_semaphore, #tpu.memory_space<semaphore_mem>>) {add = true}
      %add3A_430 = arith.constant 3 : i32
      %add3A_431 = arith.addi %mul3A_315, %add3A_430 : i32
      %dma_wait3A_432 = arith.constant 0 : i32
      %dma_wait3A_433 = arith.constant 0 : i32
      %dma_wait3A_434 = tpu.memref_slice %arg7[%dma_wait3A_432, %dma_wait3A_433] : memref<160x128xi32, #tpu.memory_space<vmem>> -> memref<1x128xi32, #tpu.memory_space<vmem>>
      %dma_wait3A_435 = tpu.memref_squeeze %dma_wait3A_434 : memref<1x128xi32, #tpu.memory_space<vmem>> -> memref<128xi32, #tpu.memory_space<vmem>>
      %dma_wait3A_436 = arith.constant 0 : i32
      %dma_wait3A_437 = arith.constant 0 : i32
      %dma_wait3A_438 = tpu.memref_slice %arg12[%dma_wait3A_436, %dma_wait3A_437] : memref<10112x64xf32, #tpu.memory_space<vmem_shared>> -> memref<10112x64xf32, #tpu.memory_space<vmem_shared>>
      tpu.wait_indirect_dma semaphore(%arg18 : memref<!tpu.dma_semaphore, #tpu.memory_space<semaphore_mem>>) src(%arg9 : memref<128x64xf32, #tpu.memory_space<vmem>>) dst(%dma_wait3A_438 : memref<10112x64xf32, #tpu.memory_space<vmem_shared>>)
      %add3A_439 = arith.constant 2 : i32
      %add3A_440 = arith.addi %add3A_431, %add3A_439 : i32
      %dma_start3A_441 = arith.constant 0 : i32
      %dma_start3A_442 = tpu.memref_slice %arg6[%add3A_440, %dma_start3A_441] : memref<160x128xi32, #tpu.memory_space<vmem>> -> memref<1x128xi32, #tpu.memory_space<vmem>>
      %dma_start3A_443 = tpu.memref_squeeze %dma_start3A_442 : memref<1x128xi32, #tpu.memory_space<vmem>> -> memref<128xi32, #tpu.memory_space<vmem>>
      %dma_start3A_444 = arith.constant 0 : i32
      %dma_start3A_445 = arith.constant 0 : i32
      %dma_start3A_446 = tpu.memref_slice %arg4[%arg0, %dma_start3A_444, %dma_start3A_445] : memref<2x10000x64xf32, #tpu.memory_space<hbm>> -> memref<1x10000x64xf32, #tpu.memory_space<hbm>>
      %dma_start3A_447 = tpu.memref_squeeze %dma_start3A_446 : memref<1x10000x64xf32, #tpu.memory_space<hbm>> -> memref<10000x64xf32, #tpu.memory_space<hbm>>
      %dma_start3A_448 = arith.constant 0 : i32
      %dma_start3A_449 = arith.constant 0 : i32
      %dma_start3A_450 = tpu.memref_slice %dma_start3A_447[%dma_start3A_448, %dma_start3A_449] : memref<10000x64xf32, #tpu.memory_space<hbm>> -> memref<10000x64xf32, #tpu.memory_space<hbm>>
      tpu.enqueue_indirect_dma source(%dma_start3A_450 : memref<10000x64xf32, #tpu.memory_space<hbm>>) target(%arg9 : memref<128x64xf32, #tpu.memory_space<vmem>>) offsets(%dma_start3A_443 : memref<128xi32, #tpu.memory_space<vmem>>) semaphore(%arg14 : memref<!tpu.dma_semaphore, #tpu.memory_space<semaphore_mem>>)
      %dma_wait3A_451 = arith.constant 0 : i32
      %dma_wait3A_452 = arith.constant 0 : i32
      %dma_wait3A_453 = tpu.memref_slice %arg6[%dma_wait3A_451, %dma_wait3A_452] : memref<160x128xi32, #tpu.memory_space<vmem>> -> memref<1x128xi32, #tpu.memory_space<vmem>>
      %dma_wait3A_454 = tpu.memref_squeeze %dma_wait3A_453 : memref<1x128xi32, #tpu.memory_space<vmem>> -> memref<128xi32, #tpu.memory_space<vmem>>
      %dma_wait3A_455 = arith.constant 0 : i32
      %dma_wait3A_456 = arith.constant 0 : i32
      %dma_wait3A_457 = tpu.memref_slice %arg4[%arg0, %dma_wait3A_455, %dma_wait3A_456] : memref<2x10000x64xf32, #tpu.memory_space<hbm>> -> memref<1x10000x64xf32, #tpu.memory_space<hbm>>
      %dma_wait3A_458 = tpu.memref_squeeze %dma_wait3A_457 : memref<1x10000x64xf32, #tpu.memory_space<hbm>> -> memref<10000x64xf32, #tpu.memory_space<hbm>>
      %dma_wait3A_459 = arith.constant 0 : i32
      %dma_wait3A_460 = arith.constant 0 : i32
      %dma_wait3A_461 = tpu.memref_slice %dma_wait3A_458[%dma_wait3A_459, %dma_wait3A_460] : memref<10000x64xf32, #tpu.memory_space<hbm>> -> memref<10000x64xf32, #tpu.memory_space<hbm>>
      tpu.wait_indirect_dma semaphore(%arg16 : memref<!tpu.dma_semaphore, #tpu.memory_space<semaphore_mem>>) src(%dma_wait3A_461 : memref<10000x64xf32, #tpu.memory_space<hbm>>) dst(%arg11 : memref<128x64xf32, #tpu.memory_space<vmem>>)
      %dma_start3A_462 = arith.constant 0 : i32
      %dma_start3A_463 = tpu.memref_slice %arg7[%add3A_431, %dma_start3A_462] : memref<160x128xi32, #tpu.memory_space<vmem>> -> memref<1x128xi32, #tpu.memory_space<vmem>>
      %dma_start3A_464 = tpu.memref_squeeze %dma_start3A_463 : memref<1x128xi32, #tpu.memory_space<vmem>> -> memref<128xi32, #tpu.memory_space<vmem>>
      %dma_start3A_465 = arith.constant 0 : i32
      %dma_start3A_466 = arith.constant 0 : i32
      %dma_start3A_467 = tpu.memref_slice %arg12[%dma_start3A_465, %dma_start3A_466] : memref<10112x64xf32, #tpu.memory_space<vmem_shared>> -> memref<10112x64xf32, #tpu.memory_space<vmem_shared>>
      tpu.enqueue_indirect_dma source(%arg11 : memref<128x64xf32, #tpu.memory_space<vmem>>) target(%dma_start3A_467 : memref<10112x64xf32, #tpu.memory_space<vmem_shared>>) offsets(%dma_start3A_464 : memref<128xi32, #tpu.memory_space<vmem>>) semaphore(%arg20 : memref<!tpu.dma_semaphore, #tpu.memory_space<semaphore_mem>>) {add = true}
    }
    %scan3A_171 = arith.constant 38 : i32
    %dma_wait3A_172 = arith.constant 0 : i32
    %dma_wait3A_173 = arith.constant 0 : i32
    %dma_wait3A_174 = tpu.memref_slice %arg7[%dma_wait3A_172, %dma_wait3A_173] : memref<160x128xi32, #tpu.memory_space<vmem>> -> memref<1x128xi32, #tpu.memory_space<vmem>>
    %dma_wait3A_175 = tpu.memref_squeeze %dma_wait3A_174 : memref<1x128xi32, #tpu.memory_space<vmem>> -> memref<128xi32, #tpu.memory_space<vmem>>
    %dma_wait3A_176 = arith.constant 0 : i32
    %dma_wait3A_177 = arith.constant 0 : i32
    %dma_wait3A_178 = tpu.memref_slice %arg12[%dma_wait3A_176, %dma_wait3A_177] : memref<10112x64xf32, #tpu.memory_space<vmem_shared>> -> memref<10112x64xf32, #tpu.memory_space<vmem_shared>>
    tpu.wait_indirect_dma semaphore(%arg19 : memref<!tpu.dma_semaphore, #tpu.memory_space<semaphore_mem>>) src(%arg10 : memref<128x64xf32, #tpu.memory_space<vmem>>) dst(%dma_wait3A_178 : memref<10112x64xf32, #tpu.memory_space<vmem_shared>>)
    %dma_start3A_179 = arith.constant 158 : i32
    %dma_start3A_180 = arith.constant 0 : i32
    %dma_start3A_181 = tpu.memref_slice %arg6[%dma_start3A_179, %dma_start3A_180] : memref<160x128xi32, #tpu.memory_space<vmem>> -> memref<1x128xi32, #tpu.memory_space<vmem>>
    %dma_start3A_182 = tpu.memref_squeeze %dma_start3A_181 : memref<1x128xi32, #tpu.memory_space<vmem>> -> memref<128xi32, #tpu.memory_space<vmem>>
    %dma_start3A_183 = arith.constant 0 : i32
    %dma_start3A_184 = arith.constant 0 : i32
    %dma_start3A_185 = tpu.memref_slice %arg4[%arg0, %dma_start3A_183, %dma_start3A_184] : memref<2x10000x64xf32, #tpu.memory_space<hbm>> -> memref<1x10000x64xf32, #tpu.memory_space<hbm>>
    %dma_start3A_186 = tpu.memref_squeeze %dma_start3A_185 : memref<1x10000x64xf32, #tpu.memory_space<hbm>> -> memref<10000x64xf32, #tpu.memory_space<hbm>>
    %dma_start3A_187 = arith.constant 0 : i32
    %dma_start3A_188 = arith.constant 0 : i32
    %dma_start3A_189 = tpu.memref_slice %dma_start3A_186[%dma_start3A_187, %dma_start3A_188] : memref<10000x64xf32, #tpu.memory_space<hbm>> -> memref<10000x64xf32, #tpu.memory_space<hbm>>
    tpu.enqueue_indirect_dma source(%dma_start3A_189 : memref<10000x64xf32, #tpu.memory_space<hbm>>) target(%arg10 : memref<128x64xf32, #tpu.memory_space<vmem>>) offsets(%dma_start3A_182 : memref<128xi32, #tpu.memory_space<vmem>>) semaphore(%arg15 : memref<!tpu.dma_semaphore, #tpu.memory_space<semaphore_mem>>)
    %dma_wait3A_190 = arith.constant 0 : i32
    %dma_wait3A_191 = arith.constant 0 : i32
    %dma_wait3A_192 = tpu.memref_slice %arg6[%dma_wait3A_190, %dma_wait3A_191] : memref<160x128xi32, #tpu.memory_space<vmem>> -> memref<1x128xi32, #tpu.memory_space<vmem>>
    %dma_wait3A_193 = tpu.memref_squeeze %dma_wait3A_192 : memref<1x128xi32, #tpu.memory_space<vmem>> -> memref<128xi32, #tpu.memory_space<vmem>>
    %dma_wait3A_194 = arith.constant 0 : i32
    %dma_wait3A_195 = arith.constant 0 : i32
    %dma_wait3A_196 = tpu.memref_slice %arg4[%arg0, %dma_wait3A_194, %dma_wait3A_195] : memref<2x10000x64xf32, #tpu.memory_space<hbm>> -> memref<1x10000x64xf32, #tpu.memory_space<hbm>>
    %dma_wait3A_197 = tpu.memref_squeeze %dma_wait3A_196 : memref<1x10000x64xf32, #tpu.memory_space<hbm>> -> memref<10000x64xf32, #tpu.memory_space<hbm>>
    %dma_wait3A_198 = arith.constant 0 : i32
    %dma_wait3A_199 = arith.constant 0 : i32
    %dma_wait3A_200 = tpu.memref_slice %dma_wait3A_197[%dma_wait3A_198, %dma_wait3A_199] : memref<10000x64xf32, #tpu.memory_space<hbm>> -> memref<10000x64xf32, #tpu.memory_space<hbm>>
    tpu.wait_indirect_dma semaphore(%arg13 : memref<!tpu.dma_semaphore, #tpu.memory_space<semaphore_mem>>) src(%dma_wait3A_200 : memref<10000x64xf32, #tpu.memory_space<hbm>>) dst(%arg8 : memref<128x64xf32, #tpu.memory_space<vmem>>)
    %dma_start3A_201 = arith.constant 156 : i32
    %dma_start3A_202 = arith.constant 0 : i32
    %dma_start3A_203 = tpu.memref_slice %arg7[%dma_start3A_201, %dma_start3A_202] : memref<160x128xi32, #tpu.memory_space<vmem>> -> memref<1x128xi32, #tpu.memory_space<vmem>>
    %dma_start3A_204 = tpu.memref_squeeze %dma_start3A_203 : memref<1x128xi32, #tpu.memory_space<vmem>> -> memref<128xi32, #tpu.memory_space<vmem>>
    %dma_start3A_205 = arith.constant 0 : i32
    %dma_start3A_206 = arith.constant 0 : i32
    %dma_start3A_207 = tpu.memref_slice %arg12[%dma_start3A_205, %dma_start3A_206] : memref<10112x64xf32, #tpu.memory_space<vmem_shared>> -> memref<10112x64xf32, #tpu.memory_space<vmem_shared>>
    tpu.enqueue_indirect_dma source(%arg8 : memref<128x64xf32, #tpu.memory_space<vmem>>) target(%dma_start3A_207 : memref<10112x64xf32, #tpu.memory_space<vmem_shared>>) offsets(%dma_start3A_204 : memref<128xi32, #tpu.memory_space<vmem>>) semaphore(%arg17 : memref<!tpu.dma_semaphore, #tpu.memory_space<semaphore_mem>>) {add = true}
    %dma_wait3A_208 = arith.constant 0 : i32
    %dma_wait3A_209 = arith.constant 0 : i32
    %dma_wait3A_210 = tpu.memref_slice %arg7[%dma_wait3A_208, %dma_wait3A_209] : memref<160x128xi32, #tpu.memory_space<vmem>> -> memref<1x128xi32, #tpu.memory_space<vmem>>
    %dma_wait3A_211 = tpu.memref_squeeze %dma_wait3A_210 : memref<1x128xi32, #tpu.memory_space<vmem>> -> memref<128xi32, #tpu.memory_space<vmem>>
    %dma_wait3A_212 = arith.constant 0 : i32
    %dma_wait3A_213 = arith.constant 0 : i32
    %dma_wait3A_214 = tpu.memref_slice %arg12[%dma_wait3A_212, %dma_wait3A_213] : memref<10112x64xf32, #tpu.memory_space<vmem_shared>> -> memref<10112x64xf32, #tpu.memory_space<vmem_shared>>
    tpu.wait_indirect_dma semaphore(%arg20 : memref<!tpu.dma_semaphore, #tpu.memory_space<semaphore_mem>>) src(%arg11 : memref<128x64xf32, #tpu.memory_space<vmem>>) dst(%dma_wait3A_214 : memref<10112x64xf32, #tpu.memory_space<vmem_shared>>)
    %dma_start3A_215 = arith.constant 159 : i32
    %dma_start3A_216 = arith.constant 0 : i32
    %dma_start3A_217 = tpu.memref_slice %arg6[%dma_start3A_215, %dma_start3A_216] : memref<160x128xi32, #tpu.memory_space<vmem>> -> memref<1x128xi32, #tpu.memory_space<vmem>>
    %dma_start3A_218 = tpu.memref_squeeze %dma_start3A_217 : memref<1x128xi32, #tpu.memory_space<vmem>> -> memref<128xi32, #tpu.memory_space<vmem>>
    %dma_start3A_219 = arith.constant 0 : i32
    %dma_start3A_220 = arith.constant 0 : i32
    %dma_start3A_221 = tpu.memref_slice %arg4[%arg0, %dma_start3A_219, %dma_start3A_220] : memref<2x10000x64xf32, #tpu.memory_space<hbm>> -> memref<1x10000x64xf32, #tpu.memory_space<hbm>>
    %dma_start3A_222 = tpu.memref_squeeze %dma_start3A_221 : memref<1x10000x64xf32, #tpu.memory_space<hbm>> -> memref<10000x64xf32, #tpu.memory_space<hbm>>
    %dma_start3A_223 = arith.constant 0 : i32
    %dma_start3A_224 = arith.constant 0 : i32
    %dma_start3A_225 = tpu.memref_slice %dma_start3A_222[%dma_start3A_223, %dma_start3A_224] : memref<10000x64xf32, #tpu.memory_space<hbm>> -> memref<10000x64xf32, #tpu.memory_space<hbm>>
    tpu.enqueue_indirect_dma source(%dma_start3A_225 : memref<10000x64xf32, #tpu.memory_space<hbm>>) target(%arg11 : memref<128x64xf32, #tpu.memory_space<vmem>>) offsets(%dma_start3A_218 : memref<128xi32, #tpu.memory_space<vmem>>) semaphore(%arg16 : memref<!tpu.dma_semaphore, #tpu.memory_space<semaphore_mem>>)
    %dma_wait3A_226 = arith.constant 0 : i32
    %dma_wait3A_227 = arith.constant 0 : i32
    %dma_wait3A_228 = tpu.memref_slice %arg6[%dma_wait3A_226, %dma_wait3A_227] : memref<160x128xi32, #tpu.memory_space<vmem>> -> memref<1x128xi32, #tpu.memory_space<vmem>>
    %dma_wait3A_229 = tpu.memref_squeeze %dma_wait3A_228 : memref<1x128xi32, #tpu.memory_space<vmem>> -> memref<128xi32, #tpu.memory_space<vmem>>
    %dma_wait3A_230 = arith.constant 0 : i32
    %dma_wait3A_231 = arith.constant 0 : i32
    %dma_wait3A_232 = tpu.memref_slice %arg4[%arg0, %dma_wait3A_230, %dma_wait3A_231] : memref<2x10000x64xf32, #tpu.memory_space<hbm>> -> memref<1x10000x64xf32, #tpu.memory_space<hbm>>
    %dma_wait3A_233 = tpu.memref_squeeze %dma_wait3A_232 : memref<1x10000x64xf32, #tpu.memory_space<hbm>> -> memref<10000x64xf32, #tpu.memory_space<hbm>>
    %dma_wait3A_234 = arith.constant 0 : i32
    %dma_wait3A_235 = arith.constant 0 : i32
    %dma_wait3A_236 = tpu.memref_slice %dma_wait3A_233[%dma_wait3A_234, %dma_wait3A_235] : memref<10000x64xf32, #tpu.memory_space<hbm>> -> memref<10000x64xf32, #tpu.memory_space<hbm>>
    tpu.wait_indirect_dma semaphore(%arg14 : memref<!tpu.dma_semaphore, #tpu.memory_space<semaphore_mem>>) src(%dma_wait3A_236 : memref<10000x64xf32, #tpu.memory_space<hbm>>) dst(%arg9 : memref<128x64xf32, #tpu.memory_space<vmem>>)
    %dma_start3A_237 = arith.constant 157 : i32
    %dma_start3A_238 = arith.constant 0 : i32
    %dma_start3A_239 = tpu.memref_slice %arg7[%dma_start3A_237, %dma_start3A_238] : memref<160x128xi32, #tpu.memory_space<vmem>> -> memref<1x128xi32, #tpu.memory_space<vmem>>
    %dma_start3A_240 = tpu.memref_squeeze %dma_start3A_239 : memref<1x128xi32, #tpu.memory_space<vmem>> -> memref<128xi32, #tpu.memory_space<vmem>>
    %dma_start3A_241 = arith.constant 0 : i32
    %dma_start3A_242 = arith.constant 0 : i32
    %dma_start3A_243 = tpu.memref_slice %arg12[%dma_start3A_241, %dma_start3A_242] : memref<10112x64xf32, #tpu.memory_space<vmem_shared>> -> memref<10112x64xf32, #tpu.memory_space<vmem_shared>>
    tpu.enqueue_indirect_dma source(%arg9 : memref<128x64xf32, #tpu.memory_space<vmem>>) target(%dma_start3A_243 : memref<10112x64xf32, #tpu.memory_space<vmem_shared>>) offsets(%dma_start3A_240 : memref<128xi32, #tpu.memory_space<vmem>>) semaphore(%arg18 : memref<!tpu.dma_semaphore, #tpu.memory_space<semaphore_mem>>) {add = true}
    %dma_wait3A_244 = arith.constant 0 : i32
    %dma_wait3A_245 = arith.constant 0 : i32
    %dma_wait3A_246 = tpu.memref_slice %arg6[%dma_wait3A_244, %dma_wait3A_245] : memref<160x128xi32, #tpu.memory_space<vmem>> -> memref<1x128xi32, #tpu.memory_space<vmem>>
    %dma_wait3A_247 = tpu.memref_squeeze %dma_wait3A_246 : memref<1x128xi32, #tpu.memory_space<vmem>> -> memref<128xi32, #tpu.memory_space<vmem>>
    %dma_wait3A_248 = arith.constant 0 : i32
    %dma_wait3A_249 = arith.constant 0 : i32
    %dma_wait3A_250 = tpu.memref_slice %arg4[%arg0, %dma_wait3A_248, %dma_wait3A_249] : memref<2x10000x64xf32, #tpu.memory_space<hbm>> -> memref<1x10000x64xf32, #tpu.memory_space<hbm>>
    %dma_wait3A_251 = tpu.memref_squeeze %dma_wait3A_250 : memref<1x10000x64xf32, #tpu.memory_space<hbm>> -> memref<10000x64xf32, #tpu.memory_space<hbm>>
    %dma_wait3A_252 = arith.constant 0 : i32
    %dma_wait3A_253 = arith.constant 0 : i32
    %dma_wait3A_254 = tpu.memref_slice %dma_wait3A_251[%dma_wait3A_252, %dma_wait3A_253] : memref<10000x64xf32, #tpu.memory_space<hbm>> -> memref<10000x64xf32, #tpu.memory_space<hbm>>
    tpu.wait_indirect_dma semaphore(%arg15 : memref<!tpu.dma_semaphore, #tpu.memory_space<semaphore_mem>>) src(%dma_wait3A_254 : memref<10000x64xf32, #tpu.memory_space<hbm>>) dst(%arg10 : memref<128x64xf32, #tpu.memory_space<vmem>>)
    %dma_start3A_255 = arith.constant 158 : i32
    %dma_start3A_256 = arith.constant 0 : i32
    %dma_start3A_257 = tpu.memref_slice %arg7[%dma_start3A_255, %dma_start3A_256] : memref<160x128xi32, #tpu.memory_space<vmem>> -> memref<1x128xi32, #tpu.memory_space<vmem>>
    %dma_start3A_258 = tpu.memref_squeeze %dma_start3A_257 : memref<1x128xi32, #tpu.memory_space<vmem>> -> memref<128xi32, #tpu.memory_space<vmem>>
    %dma_start3A_259 = arith.constant 0 : i32
    %dma_start3A_260 = arith.constant 0 : i32
    %dma_start3A_261 = tpu.memref_slice %arg12[%dma_start3A_259, %dma_start3A_260] : memref<10112x64xf32, #tpu.memory_space<vmem_shared>> -> memref<10112x64xf32, #tpu.memory_space<vmem_shared>>
    tpu.enqueue_indirect_dma source(%arg10 : memref<128x64xf32, #tpu.memory_space<vmem>>) target(%dma_start3A_261 : memref<10112x64xf32, #tpu.memory_space<vmem_shared>>) offsets(%dma_start3A_258 : memref<128xi32, #tpu.memory_space<vmem>>) semaphore(%arg19 : memref<!tpu.dma_semaphore, #tpu.memory_space<semaphore_mem>>) {add = true}
    %dma_wait3A_262 = arith.constant 0 : i32
    %dma_wait3A_263 = arith.constant 0 : i32
    %dma_wait3A_264 = tpu.memref_slice %arg6[%dma_wait3A_262, %dma_wait3A_263] : memref<160x128xi32, #tpu.memory_space<vmem>> -> memref<1x128xi32, #tpu.memory_space<vmem>>
    %dma_wait3A_265 = tpu.memref_squeeze %dma_wait3A_264 : memref<1x128xi32, #tpu.memory_space<vmem>> -> memref<128xi32, #tpu.memory_space<vmem>>
    %dma_wait3A_266 = arith.constant 0 : i32
    %dma_wait3A_267 = arith.constant 0 : i32
    %dma_wait3A_268 = tpu.memref_slice %arg4[%arg0, %dma_wait3A_266, %dma_wait3A_267] : memref<2x10000x64xf32, #tpu.memory_space<hbm>> -> memref<1x10000x64xf32, #tpu.memory_space<hbm>>
    %dma_wait3A_269 = tpu.memref_squeeze %dma_wait3A_268 : memref<1x10000x64xf32, #tpu.memory_space<hbm>> -> memref<10000x64xf32, #tpu.memory_space<hbm>>
    %dma_wait3A_270 = arith.constant 0 : i32
    %dma_wait3A_271 = arith.constant 0 : i32
    %dma_wait3A_272 = tpu.memref_slice %dma_wait3A_269[%dma_wait3A_270, %dma_wait3A_271] : memref<10000x64xf32, #tpu.memory_space<hbm>> -> memref<10000x64xf32, #tpu.memory_space<hbm>>
    tpu.wait_indirect_dma semaphore(%arg16 : memref<!tpu.dma_semaphore, #tpu.memory_space<semaphore_mem>>) src(%dma_wait3A_272 : memref<10000x64xf32, #tpu.memory_space<hbm>>) dst(%arg11 : memref<128x64xf32, #tpu.memory_space<vmem>>)
    %dma_start3A_273 = arith.constant 159 : i32
    %dma_start3A_274 = arith.constant 0 : i32
    %dma_start3A_275 = tpu.memref_slice %arg7[%dma_start3A_273, %dma_start3A_274] : memref<160x128xi32, #tpu.memory_space<vmem>> -> memref<1x128xi32, #tpu.memory_space<vmem>>
    %dma_start3A_276 = tpu.memref_squeeze %dma_start3A_275 : memref<1x128xi32, #tpu.memory_space<vmem>> -> memref<128xi32, #tpu.memory_space<vmem>>
    %dma_start3A_277 = arith.constant 0 : i32
    %dma_start3A_278 = arith.constant 0 : i32
    %dma_start3A_279 = tpu.memref_slice %arg12[%dma_start3A_277, %dma_start3A_278] : memref<10112x64xf32, #tpu.memory_space<vmem_shared>> -> memref<10112x64xf32, #tpu.memory_space<vmem_shared>>
    tpu.enqueue_indirect_dma source(%arg11 : memref<128x64xf32, #tpu.memory_space<vmem>>) target(%dma_start3A_279 : memref<10112x64xf32, #tpu.memory_space<vmem_shared>>) offsets(%dma_start3A_276 : memref<128xi32, #tpu.memory_space<vmem>>) semaphore(%arg20 : memref<!tpu.dma_semaphore, #tpu.memory_space<semaphore_mem>>) {add = true}
    %dma_wait3A_280 = arith.constant 0 : i32
    %dma_wait3A_281 = arith.constant 0 : i32
    %dma_wait3A_282 = tpu.memref_slice %arg7[%dma_wait3A_280, %dma_wait3A_281] : memref<160x128xi32, #tpu.memory_space<vmem>> -> memref<1x128xi32, #tpu.memory_space<vmem>>
    %dma_wait3A_283 = tpu.memref_squeeze %dma_wait3A_282 : memref<1x128xi32, #tpu.memory_space<vmem>> -> memref<128xi32, #tpu.memory_space<vmem>>
    %dma_wait3A_284 = arith.constant 0 : i32
    %dma_wait3A_285 = arith.constant 0 : i32
    %dma_wait3A_286 = tpu.memref_slice %arg12[%dma_wait3A_284, %dma_wait3A_285] : memref<10112x64xf32, #tpu.memory_space<vmem_shared>> -> memref<10112x64xf32, #tpu.memory_space<vmem_shared>>
    tpu.wait_indirect_dma semaphore(%arg17 : memref<!tpu.dma_semaphore, #tpu.memory_space<semaphore_mem>>) src(%arg8 : memref<128x64xf32, #tpu.memory_space<vmem>>) dst(%dma_wait3A_286 : memref<10112x64xf32, #tpu.memory_space<vmem_shared>>)
    %dma_wait3A_287 = arith.constant 0 : i32
    %dma_wait3A_288 = arith.constant 0 : i32
    %dma_wait3A_289 = tpu.memref_slice %arg7[%dma_wait3A_287, %dma_wait3A_288] : memref<160x128xi32, #tpu.memory_space<vmem>> -> memref<1x128xi32, #tpu.memory_space<vmem>>
    %dma_wait3A_290 = tpu.memref_squeeze %dma_wait3A_289 : memref<1x128xi32, #tpu.memory_space<vmem>> -> memref<128xi32, #tpu.memory_space<vmem>>
    %dma_wait3A_291 = arith.constant 0 : i32
    %dma_wait3A_292 = arith.constant 0 : i32
    %dma_wait3A_293 = tpu.memref_slice %arg12[%dma_wait3A_291, %dma_wait3A_292] : memref<10112x64xf32, #tpu.memory_space<vmem_shared>> -> memref<10112x64xf32, #tpu.memory_space<vmem_shared>>
    tpu.wait_indirect_dma semaphore(%arg18 : memref<!tpu.dma_semaphore, #tpu.memory_space<semaphore_mem>>) src(%arg9 : memref<128x64xf32, #tpu.memory_space<vmem>>) dst(%dma_wait3A_293 : memref<10112x64xf32, #tpu.memory_space<vmem_shared>>)
    %dma_wait3A_294 = arith.constant 0 : i32
    %dma_wait3A_295 = arith.constant 0 : i32
    %dma_wait3A_296 = tpu.memref_slice %arg7[%dma_wait3A_294, %dma_wait3A_295] : memref<160x128xi32, #tpu.memory_space<vmem>> -> memref<1x128xi32, #tpu.memory_space<vmem>>
    %dma_wait3A_297 = tpu.memref_squeeze %dma_wait3A_296 : memref<1x128xi32, #tpu.memory_space<vmem>> -> memref<128xi32, #tpu.memory_space<vmem>>
    %dma_wait3A_298 = arith.constant 0 : i32
    %dma_wait3A_299 = arith.constant 0 : i32
    %dma_wait3A_300 = tpu.memref_slice %arg12[%dma_wait3A_298, %dma_wait3A_299] : memref<10112x64xf32, #tpu.memory_space<vmem_shared>> -> memref<10112x64xf32, #tpu.memory_space<vmem_shared>>
    tpu.wait_indirect_dma semaphore(%arg19 : memref<!tpu.dma_semaphore, #tpu.memory_space<semaphore_mem>>) src(%arg10 : memref<128x64xf32, #tpu.memory_space<vmem>>) dst(%dma_wait3A_300 : memref<10112x64xf32, #tpu.memory_space<vmem_shared>>)
    %dma_wait3A_301 = arith.constant 0 : i32
    %dma_wait3A_302 = arith.constant 0 : i32
    %dma_wait3A_303 = tpu.memref_slice %arg7[%dma_wait3A_301, %dma_wait3A_302] : memref<160x128xi32, #tpu.memory_space<vmem>> -> memref<1x128xi32, #tpu.memory_space<vmem>>
    %dma_wait3A_304 = tpu.memref_squeeze %dma_wait3A_303 : memref<1x128xi32, #tpu.memory_space<vmem>> -> memref<128xi32, #tpu.memory_space<vmem>>
    %dma_wait3A_305 = arith.constant 0 : i32
    %dma_wait3A_306 = arith.constant 0 : i32
    %dma_wait3A_307 = tpu.memref_slice %arg12[%dma_wait3A_305, %dma_wait3A_306] : memref<10112x64xf32, #tpu.memory_space<vmem_shared>> -> memref<10112x64xf32, #tpu.memory_space<vmem_shared>>
    tpu.wait_indirect_dma semaphore(%arg20 : memref<!tpu.dma_semaphore, #tpu.memory_space<semaphore_mem>>) src(%arg11 : memref<128x64xf32, #tpu.memory_space<vmem>>) dst(%dma_wait3A_307 : memref<10112x64xf32, #tpu.memory_space<vmem_shared>>)
    %barrier3A_308 = arith.constant 0 : index
    tpu.barrier barrier_id(%barrier3A_308)
    %mul3A_309 = arith.constant 632 : i32
    %mul3A_310 = arith.muli %arg1, %mul3A_309 : i32
    %mul3A_311 = arith.constant 632 : i32
    %mul3A_312 = arith.muli %arg1, %mul3A_311 : i32
    "tpu.region"() ({
      %run_scoped3A = tpu.sem_alloc : memref<!tpu.dma_semaphore, #tpu.memory_space<semaphore_mem>>
      %dma_start3A_313 = arith.constant 0 : i32
      %dma_start3A_314 = arith.constant 0 : i32
      %dma_start3A_315 = tpu.memref_slice %arg5[%arg0, %dma_start3A_313, %dma_start3A_314] : memref<2x10112x64xf32, #tpu.memory_space<hbm>> -> memref<1x10112x64xf32, #tpu.memory_space<hbm>>
      %dma_start3A_316 = tpu.memref_squeeze %dma_start3A_315 : memref<1x10112x64xf32, #tpu.memory_space<hbm>> -> memref<10112x64xf32, #tpu.memory_space<hbm>>
      %dma_start3A_317 = arith.constant 0 : i32
      %dma_start3A_318 = tpu.memref_slice %dma_start3A_316[%mul3A_312, %dma_start3A_317] : memref<10112x64xf32, #tpu.memory_space<hbm>> -> memref<632x64xf32, #tpu.memory_space<hbm>>
      %dma_start3A_319 = arith.constant 0 : i32
      %dma_start3A_320 = tpu.memref_slice %arg12[%mul3A_310, %dma_start3A_319] : memref<10112x64xf32, #tpu.memory_space<vmem_shared>> -> memref<632x64xf32, #tpu.memory_space<vmem_shared>>
      tpu.enqueue_dma source(%dma_start3A_320 : memref<632x64xf32, #tpu.memory_space<vmem_shared>>) target(%dma_start3A_318 : memref<632x64xf32, #tpu.memory_space<hbm>>) target_semaphore(%run_scoped3A : memref<!tpu.dma_semaphore, #tpu.memory_space<semaphore_mem>>)
      %dma_wait3A_321 = arith.constant 0 : i32
      %dma_wait3A_322 = arith.constant 0 : i32
      %dma_wait3A_323 = tpu.memref_slice %arg5[%arg0, %dma_wait3A_321, %dma_wait3A_322] : memref<2x10112x64xf32, #tpu.memory_space<hbm>> -> memref<1x10112x64xf32, #tpu.memory_space<hbm>>
      %dma_wait3A_324 = tpu.memref_squeeze %dma_wait3A_323 : memref<1x10112x64xf32, #tpu.memory_space<hbm>> -> memref<10112x64xf32, #tpu.memory_space<hbm>>
      %dma_wait3A_325 = arith.constant 0 : i32
      %dma_wait3A_326 = tpu.memref_slice %dma_wait3A_324[%mul3A_312, %dma_wait3A_325] : memref<10112x64xf32, #tpu.memory_space<hbm>> -> memref<632x64xf32, #tpu.memory_space<hbm>>
      %dma_wait3A_327 = arith.constant 0 : i32
      %dma_wait3A_328 = tpu.memref_slice %arg12[%mul3A_310, %dma_wait3A_327] : memref<10112x64xf32, #tpu.memory_space<vmem_shared>> -> memref<632x64xf32, #tpu.memory_space<vmem_shared>>
      tpu.wait_dma2 semaphore(%run_scoped3A : memref<!tpu.dma_semaphore, #tpu.memory_space<semaphore_mem>>) src(%dma_wait3A_328 : memref<632x64xf32, #tpu.memory_space<vmem_shared>>) dst(%dma_wait3A_326 : memref<632x64xf32, #tpu.memory_space<hbm>>)
      tpu.yield
    }) : () -> ()
    return
  }
}

module attributes {stable_mosaic.version = 14 : i64} {
  func.func @body(%arg0: i32, %arg1: memref<1000x128xf32, #tpu.memory_space<vmem>>, %arg2: memref<1000x64xf32, #tpu.memory_space<vmem>>, %arg3: memref<1000x64xf32, #tpu.memory_space<vmem>>, %arg4: memref<128x128xf32, #tpu.memory_space<vmem>>, %arg5: memref<1000x128xf32, #tpu.memory_space<vmem>>) attributes {dimension_semantics = [#tpu.dimension_semantics<arbitrary>], iteration_bounds = array<i64: 10>, scalar_prefetch = 0 : i64, scratch_operands = 0 : i64, tpu.core_type = #tpu.core_type<tc>, window_params = [{transform_indices = @transform_0, window_bounds = array<i64: 1000, 128>}, {transform_indices = @transform_1, window_bounds = array<i64: 1000, 64>}, {transform_indices = @transform_2, window_bounds = array<i64: 1000, 64>}, {pipeline_mode = #tpu.pipeline_mode<synchronous>, transform_indices = @transform_3, window_bounds = array<i64: 128, 128>}, {transform_indices = @transform_4, window_bounds = array<i64: 1000, 128>}]} {
    %get3A = arith.constant 0 : index
    %get3A_0 = arith.constant 0 : index
    %get3A_1 = vector.load %arg1[%get3A, %get3A_0] : memref<1000x128xf32, #tpu.memory_space<vmem>>, vector<1000x128xf32>
    %get3A_2 = arith.constant 0 : index
    %get3A_3 = arith.constant 0 : index
    %get3A_4 = vector.load %arg2[%get3A_2, %get3A_3] : memref<1000x64xf32, #tpu.memory_space<vmem>>, vector<1000x64xf32>
    %get3A_5 = arith.constant 0 : index
    %get3A_6 = arith.constant 0 : index
    %get3A_7 = vector.load %arg3[%get3A_5, %get3A_6] : memref<1000x64xf32, #tpu.memory_space<vmem>>, vector<1000x64xf32>
    %concatenate3A = tpu.concatenate %get3A_4, %get3A_7 in 1 : vector<1000x64xf32>, vector<1000x64xf32> -> vector<1000x128xf32>
    %add3A = arith.addf %get3A_1, %concatenate3A : vector<1000x128xf32>
    %get3A_8 = arith.constant 0 : index
    %get3A_9 = arith.constant 0 : index
    %get3A_10 = vector.load %arg4[%get3A_8, %get3A_9] : memref<128x128xf32, #tpu.memory_space<vmem>>, vector<128x128xf32>
    %dot_general3A = arith.constant dense<0.000000e+00> : vector<1000x128xf32>
    %dot_general3A_11 = tpu.matmul %add3A, %get3A_10, %dot_general3A {dimension_numbers = #tpu.dot_dimension_numbers<[1], [0], [0], [1], [0, 0, 1, 1], [], []>, transpose_lhs_hint = false} : vector<1000x128xf32>, vector<128x128xf32>, vector<1000x128xf32> -> vector<1000x128xf32>
    %max3A = arith.constant 0.000000e+00 : f32
    %max3A_12 = vector.broadcast %max3A : f32 to vector<1000x128xf32>
    %max3A_13 = arith.maximumf %dot_general3A_11, %max3A_12 : vector<1000x128xf32>
    %swap3A = arith.constant 0 : index
    %swap3A_14 = arith.constant 0 : index
    %swap3A_15 = vector.load %arg5[%swap3A, %swap3A_14] : memref<1000x128xf32, #tpu.memory_space<vmem>>, vector<1000x128xf32>
    tpu.vector_store %arg5[%swap3A, %swap3A_14], %max3A_13 {strides = array<i32>} : memref<1000x128xf32, #tpu.memory_space<vmem>>, vector<1000x128xf32>,
    return
  }
  func.func @transform_0(%arg0: i32) -> (i32, i32) {
    %c0_i32 = arith.constant 0 : i32
    %c0_i32_0 = arith.constant 0 : i32
    return %arg0, %c0_i32 : i32, i32
  }
  func.func @transform_1(%arg0: i32) -> (i32, i32) {
    %c0_i32 = arith.constant 0 : i32
    %c0_i32_0 = arith.constant 0 : i32
    return %arg0, %c0_i32 : i32, i32
  }
  func.func @transform_2(%arg0: i32) -> (i32, i32) {
    %c0_i32 = arith.constant 0 : i32
    %c0_i32_0 = arith.constant 0 : i32
    return %arg0, %c0_i32 : i32, i32
  }
  func.func @transform_3(%arg0: i32) -> (i32, i32) {
    %c0_i32 = arith.constant 0 : i32
    %c0_i32_0 = arith.constant 0 : i32
    %c0_i32_1 = arith.constant 0 : i32
    return %c0_i32, %c0_i32_0 : i32, i32
  }
  func.func @transform_4(%arg0: i32) -> (i32, i32) {
    %c0_i32 = arith.constant 0 : i32
    %c0_i32_0 = arith.constant 0 : i32
    return %arg0, %c0_i32 : i32, i32
  }
}

</mosaic_0001>

<sc_bundles>
// kernel: kernel.4.cloned.1.call-start
scs
__scs_entry_jumppad:
0x0: {  	(pc) =	sbr.rel $0x88, $3  }
0x1: {  	(tag) =	ssettag $0x0;
	lr =	simm.s32 $0x1  }
0x2: {  	[smem:$0x3F9E] =	sst lr;
	_ =	strace $0xD0000000  }
0x3: {  	_ = 	snop  }
0x4: {  	_ = 	snop  }
0x5: {  	_ = 	snop  }
0x6: {  	_ = 	snop  }
0x7: {  	_ = 	snop  }
__scs_overlays_trampoline_lowered:
0x8: {  	[smem:$0x3FAD] =	sst s0  }
0x9: {  	[smem:$0x3FAE] =	sst s1  }
0xa: {  	[smem:$0x3FAF] =	sst s2  }
0xb: {  	[smem:$0x3FB0] =	sst s3  }
0xc: {  	[smem:$0x3FB1] =	sst s4  }
0xd: {  	[smem:$0x3FB2] =	sst s5  }
0xe: {  	[smem:$0x3FB3] =	sst s6  }
0xf: {  	[smem:$0x3FB4] =	sst s7  }
0x10: {  	[smem:$0x3FB5] =	sst s8  }
0x11: {  	[smem:$0x3FB6] =	sst s9;
	s0 =	simm.s32 @!p0 $0x0  }
0x12: {  	s1 =	sld [smem:$0x3F9C];
	s0 =	simm.s32 @p0 $0x1  }
0x13: {  	[smem:$0x3FB7] =	sst s0;
	s0 =	simm.s32 @!p1 $0x0  }
0x14: {  	s2 =	sld [smem:$0x3F9B];
	s0 =	simm.s32 @p1 $0x1  }
0x15: {  	[smem:$0x3FB8] =	sst s0;
	s0 =	simm.s32 @!p2 $0x0  }
0x16: {  	s3 =	sld [smem:$0x3FDB];
	s0 =	simm.s32 @p2 $0x1  }
0x17: {  	s4 =	simm.s32 $0x1BF5;
	[smem:$0x3FBA] =	sst s0  }
0x18: {  	s0 =	sld [smem:$0x3F9D];
	_ =	swait.ge [sflag:s4], $0x0  }
0x19: {  	s7 =	sld [smem:$0x3F9E]  }
0x1a: {  	s8 =	sadd.s32 $0xFFFFE003, lr  }
0x1b: {  	s9 =	sadd.s32 $0xFFFFFEF7, lr;
	s5 =	simm.s32 $0xFFFFFFFF;
	p2 =	slt.u32 s8, $0xFFFFF086  }
0x1c: {  	p1 =	slt.u32 s9, $0xF7A;
	s5 =	simm.s32 @!p2 $0x0  }
0x1d: {  	s5 =	simm.s32 @p1 $0x1;
	p0 =	seq.s32 s7, s2  }
0x1e: {  	s7 =	smul.u32 @!p0 $0xF7A, s2;
	p2 =	seq.s32 @!p0 s5, $0x0  }
0x1f: {  	s9 =	smul.u32 $0xF7A, s1;
	s8 =	simm.s32 @!p0 $0x1BF5;
	p2 =	por !p2, p0  }
0x20: {  	[sflag:s8] =	ssyncset.s32 @!p0 $0xFFFFF086;
	s6 =	sadd.s32 @!p0 s3, s7;
	s7 =	simm.s32 @!p0 $0x108  }
0x21: {  	s3 =	sadd.s32 s3, s9;
	s6 =	sadd.s32 @!p0 $0x88, s6;
	s7 =	simm.s32 @p2 $0x1082  }
0x22: {  	[simem:s7], [sflag:s8] =	dma.local @!p0 [hbm:s6], $0xF7A  }
0x23: {  	s9 =	sor.u32 $0xD0000000, s2;
	s6 =	simm.s32 $0x108;
	_ =	swait.ge @!p0 [sflag:s8], $0x0  }
0x24: {  	s3 =	sadd.s32 $0x88, s3;
	s6 =	simm.s32 @!p1 $0x1082;
	[sflag:s4] =	ssyncset.s32 $0xFFFFF086  }
0x25: {  	[simem:s6], [sflag:s4] =	dma.local [hbm:s3], $0xF7A  }
0x26: {  	[smem:$0x3F9E] =	sst s1;
	(tag) =	ssettag s2;
	_ =	strace s9  }
0x27: {  	s1 =	sld [smem:$0x3FAE]  }
0x28: {  	s2 =	sld [smem:$0x3FAF]  }
0x29: {  	s4 =	sld [smem:$0x3FB1]  }
0x2a: {  	p0 =	seq.s32 s5, $0x0;
	s5 =	sld [smem:$0x3FB2]  }
0x2b: {  	s6 =	sld [smem:$0x3FB3]  }
0x2c: {  	s7 =	sld [smem:$0x3FB4]  }
0x2d: {  	s3 =	simm.s32 $0x108;
	s8 =	sld [smem:$0x3FB5]  }
0x2e: {  	s3 =	simm.s32 @!p0 $0x1082;
	s9 =	sld [smem:$0x3FB6]  }
0x2f: {  	lr =	sadd.s32 s0, s3;
	s0 =	sld [smem:$0x3FAD]  }
0x30: {  	s3 =	sld [smem:$0x3FB0]  }
0x31: {  	[smem:$0x3FB9] =	sst s10  }
0x32: {  	s10 =	sld [smem:$0x3FB7];
	_ =	sdelay $0x3  }
0x33: {  	p0 =	seq.s32 s10, $0x1;
	s10 =	sld [smem:$0x3FB9];
	_ =	sdelay $0x3  }
0x34: {  	[smem:$0x3FB9] =	sst s10  }
0x35: {  	s10 =	sld [smem:$0x3FB8];
	_ =	sdelay $0x3  }
0x36: {  	p1 =	seq.s32 s10, $0x1;
	s10 =	sld [smem:$0x3FB9];
	_ =	sdelay $0x3  }
0x37: {  	[smem:$0x3FB9] =	sst s10  }
0x38: {  	s10 =	sld [smem:$0x3FBA]  }
0x39: {  	_ = 	snop;
	(pc) =	sbr.ind lr, $3  }
0x3a: {  	_ = 	snop  }
0x3b: {  	_ = 	snop  }
0x3c: {  	p2 =	seq.s32 s10, $0x1;
	s10 =	sld [smem:$0x3FB9]  }
0x3d: {  	_ =	shalt  }
0x3e: {  	_ =	shalt  }
0x3f: {  	_ =	shalt  }
0x40: {  	_ =	shalt  }
0x41: {  	_ =	shalt  }
0x42: {  	_ =	shalt  }
0x43: {  	_ =	shalt  }
0x44: {  	_ =	shalt  }
0x45: {  	_ =	shalt  }
0x46: {  	_ =	shalt  }
0x47: {  	_ =	shalt  }
0x48: {  	_ =	shalt  }
0x49: {  	_ =	shalt  }
0x4a: {  	_ =	shalt  }
0x4b: {  	_ =	shalt  }
0x4c: {  	_ =	shalt  }
0x4d: {  	_ =	shalt  }
0x4e: {  	_ =	shalt  }
0x4f: {  	_ =	shalt  }
0x50: {  	_ =	shalt  }
0x51: {  	_ =	shalt  }
0x52: {  	_ =	shalt  }
0x53: {  	_ =	shalt  }
0x54: {  	_ =	shalt  }
0x55: {  	_ =	shalt  }
0x56: {  	_ =	shalt  }
0x57: {  	_ =	shalt  }
0x58: {  	_ =	shalt  }
0x59: {  	_ =	shalt  }
0x5a: {  	_ =	shalt  }
0x5b: {  	_ =	shalt  }
0x5c: {  	_ =	shalt  }
0x5d: {  	_ =	shalt  }
0x5e: {  	_ =	shalt  }
0x5f: {  	_ =	shalt  }
0x60: {  	_ =	shalt  }
0x61: {  	_ =	shalt  }
0x62: {  	_ =	shalt  }
0x63: {  	_ =	shalt  }
0x64: {  	_ =	shalt  }
0x65: {  	_ =	shalt  }
0x66: {  	_ =	shalt  }
0x67: {  	_ =	shalt  }
0x68: {  	_ =	shalt  }
0x69: {  	_ =	shalt  }
0x6a: {  	_ =	shalt  }
0x6b: {  	_ =	shalt  }
0x6c: {  	_ =	shalt  }
0x6d: {  	_ =	shalt  }
0x6e: {  	_ =	shalt  }
0x6f: {  	_ =	shalt  }
0x70: {  	_ =	shalt  }
0x71: {  	_ =	shalt  }
0x72: {  	_ =	shalt  }
0x73: {  	_ =	shalt  }
0x74: {  	_ =	shalt  }
0x75: {  	_ =	shalt  }
0x76: {  	_ =	shalt  }
0x77: {  	_ =	shalt  }
0x78: {  	_ =	shalt  }
0x79: {  	_ =	shalt  }
0x7a: {  	_ =	shalt  }
0x7b: {  	_ =	shalt  }
0x7c: {  	_ =	shalt  }
0x7d: {  	_ =	shalt  }
0x7e: {  	_ =	shalt  }
0x7f: {  	_ =	shalt  }
0x80: {  	_ =	shalt  }
0x81: {  	_ =	shalt  }
0x82: {  	_ =	shalt  }
0x83: {  	_ =	shalt  }
0x84: {  	_ =	shalt  }
0x85: {  	_ =	shalt  }
0x86: {  	_ =	shalt  }
0x87: {  	_ =	shalt  }
.Lfunc_end0:
.L_simem_size_0:
called_computation_lowered:
.L_overlay_start_0:
0x88: {  	s2 =	sld [smem:$0x3FD9]  }
0x89: {  	s3 =	sld [smem:$0x3FFE];
	_ =	sdelay $0x1  }
0x8a: {  	s1 =	srdreg.scid  }
0x8b: {  	s0 =	sand.u32 $0x1, s1  }
0x8c: {  	s17 =	sshll.u32 s0, $0xA;
	s2 =	sadd.s32 s3, s2  }
0x8d: {  	s2 =	sadd.s32 s2, s17  }
0x8e: {  	[smem:$0x3FC5] =	sst s2  }
0x8f: {  	_ = 	snop  }
0x90: {  	s2 =	sld [smem:$0x3FD0];
	(tm) =	ssettm $0x1  }
0x91: {  	s18 =	sld [smem:$0x3FFB];
	_ =	sdelay $0x3  }
0x92: {  	_ =	strace s18  }
0x93: {  	s3 =	sld [smem:$0x3FFC];
	_ =	sdelay $0x3  }
0x94: {  	_ =	strace s3  }
0x95: {  	s3 =	sld [smem:$0x3FFD];
	_ =	sdelay $0x3  }
0x96: {  	_ =	strace s3  }
0x97: {  	_ =	strace $0x8FFFFFFF  }
0x98: {  	s19 =	sld [smem:$0x3FDB];
	_ =	sdelay $0x1  }
0x99: {  	s4 =	simm.s32 $_scs_section_size  }
0x9a: {  	s5 =	simm.s32 $_size__tile_overlayer_lowered;
	s6 =	simm.s32 $_tile_overlayer_lowered  }
0x9b: {  	s22 =	simm.s32 $0x1BFF;
	s21 =	sshll.u32 s6, $0x1;
	s3 =	sadd.s32 s4, s19  }
0x9c: {  	s7 =	simm.s32 $0x0;
	s20 =	sshll.u32 s5, $0x1;
	s5 =	sadd.s32 s21, s3  }
0x9d: {  	[timem:s7], [sflag:s22] =	dma.local [hbm:s5], s20  }
0x9e: {  	_ =	swait.ge [sflag:s22], s20  }
0x9f: {  	s4 =	ssub.s32 $0x0, s20;
	[sflag:s22] =	ssyncset.done $0x0  }
0xa0: {  	[sflag:s22] =	ssyncadd.s32 s4;
	_ =	sdelay $0x1  }
0xa1: {  	s23 =	simm.s32 $0x1B8B  }
0xa2: {  	_ =	swait.ge [sflag:s23], $0x1  }
0xa3: {  	[sflag:s23] =	ssyncset.done $0x0  }
0xa4: {  	s25 =	simm.s32 $0x1B8E;
	s24 =	sld [smem:$0x3FFE];
	[sflag:s23] =	ssyncadd.s32 $0xFFFFFFFF  }
0xa5: {  	s26 =	simm.s32 $execute0_lowered;
	[smem:$0x3FD2] =	sst s25  }
0xa6: {  	s5 =	sshll.u32 s26, $0x1;
	_ =	strace $0x80000046;
	[dreg:$0x1] =	wrdreg $0xFFFFFFFF  }
0xa7: {  	s28 =	simm.s32 $_size_execute0_lowered;
	s3 =	sadd.s32 s3, s5;
	[dreg:$0x0] =	wrdreg $0x0  }
0xa8: {  	s5 =	sshll.u32 s28, $0x1;
	[dreg:$0x2] =	wrdreg s3  }
0xa9: {  	[dreg:$0x3] =	wrdreg s5  }
0xaa: {  	[dreg:$0x4] =	wrdreg $0xC0  }
0xab: {  	_ =	task [dreg:s7], $0x5FFFF  }
0xac: {  	[dreg:$0x1] =	wrdreg $0xFFFFFFFF  }
0xad: {  	[dreg:$0x0] =	wrdreg $0x60  }
0xae: {  	[dreg:$0x2] =	wrdreg s24  }
0xaf: {  	[dreg:$0x3] =	wrdreg s2  }
0xb0: {  	[dreg:$0x4] =	wrdreg $0x120000  }
0xb1: {  	[dreg:$0x5] =	wrdreg $0x9  }
0xb2: {  	_ =	task.clear_ibuf [dreg:s7], $0x6FFFF;
	_ =	strace $0x90000046  }
0xb3: {  	s29 =	simm.s32 $0x9;
	_ =	strace $0x80000048  }
0xb4: {  	_ =	swait.ge [sflag:s29], $0x1  }
0xb5: {  	[sflag:s29] =	ssyncadd.s32 $0xFFFFFFFF  }
0xb6: {  	_ =	strace $0x90000048  }
0xb7: {  	_ =	sfence  }
0xb8: {  	s30 =	sld [smem:$0x0];
	_ =	sdelay $0x2  }
0xb9: {  	s31 =	sshll.u32 s1, $0xD;
	s1 =	sshrl.u32 s1, $0x2  }
0xba: {  	s3 =	sand.u32 $0x4000, s31;
	s1 =	sadd.s32 s1, s30  }
0xbb: {  	s0 =	sor.u32 s3, s0;
	s1 =	sshll.u32 s1, $0x11  }
0xbc: {  	s0 =	sor.u32 s1, s0  }
0xbd: {  	s0 =	sadd.s32 $0x8F2B, s0  }
0xbe: {  	[sflag:s0] =	ssyncadd.remote.s32 $0x1  }
0xbf: {  	_ =	sfence.sel $0xFFFF  }
0xc0: {  	[dreg:$0x0] =	wrdreg $0xFFFFFFFF;
	(pc) =	sbr.abs _section_cstart, $3  }
0xc1: {  	[dreg:$0x1] =	wrdreg $0xFFFFFFFF  }
0xc2: {  	_ =	task.clear_ibuf [dreg:s7], $0x2FFFF;
	_ =	strace $0x9FFFFFFF  }
0xc3: {  	(tm) =	ssettm $0x7FFFFFFF  }
tec
execute0_lowered:
.L_overlay_start_1:
0x0: {  	(tag) =	ssettag $0x1  }
0x1: {  	s0 =	rddreg [dreg:$0x0]  }
0x2: {  	s1 =	rddreg [dreg:$0x1]  }
0x3: {  	s2 =	rddreg [dreg:$0x2];
	s10 =	stileid.u32  }
0x4: {  	s4 =	srdreg.scid;
	s3 =	simm.s32 $0x0;
	s14 =	simm.s32 $0x5000  }
0x5: {  	s15 =	simm.s32 $0xA000;
	s16 =	simm.s32 $0x80;
	s17 =	simm.s32 $0xC000  }
0x6: {  	s19 =	simm.s32 $0xE000;
	s20 =	simm.s32 $0x1;
	s22 =	simm.s32 $0x10000  }
0x7: {  	s23 =	simm.s32 $0x2;
	s29 =	simm.s32 $0x3;
	s5 =	smul.u32 $0xA00, s10  }
0x8: {  	s31 =	simm.s32 $0x6;
	s21 =	simm.s32 $0x7;
	s9 =	smul.u32 $0x27800, s10  }
0x9: {  	s25 =	simm.s32 $0x8;
	s6 =	sand.u32 $0x1, s4;
	s13 =	smul.u32 $0x9E00, s10  }
0xa: {  	[smem:$0x7FF] =	sst s3;
	s4 =	smul.u32 $0x13C00, s6;
	s7 =	ssub.s32 $0x2, s6  }
0xb: {  	_ =	strace $0x80000047;
	s11 =	smul.u32 $0x13880, s6;
	s8 =	sshrl.u32 s7, $0x1  }
0xc: {  	s5 =	sadd.s32 s5, s0;
	s26 =	sshrl.u32 s9, $0x2;
	s6 =	sadd.s32 s13, s2  }
0xd: {  	s30 =	sshrl.u32 s13, $0x3;
	s13 =	simm.s32 $0x9;
	s0 =	sadd.s32 s4, s0  }
0xe: {  	s12 =	ssub.s32 s7, s8;
	s4 =	sadd.s32 $0xA200, s5;
	s5 =	sadd.s32 $0x200, s5  }
0xf: {  	s28 =	sadd.s32 s26, s2;
	s11 =	sadd.s32 s1, s11;
	s26 =	simm.s32 $0x5  }
0x10: {  	s1 =	simm.s32 $0x4;
	s7 =	sadd.s32 $0x2000, s28;
	s8 =	sadd.s32 $0x4000, s28  }
0x11: {  	s9 =	sadd.s32 $0x6000, s28;
	s10 =	sadd.s32 $0x8000, s28;
	s0 =	sadd.s32 $0x14200, s0  }
0x12: {  	v0 =	vimm.f32 $0.0e+00;
	s12 =	smax.u32 s12, $0x1;
	s24 =	sadd.s32 s30, s0;
	s0 =	simm.s32 $0x0  }
.LBB2_1:
0x13: {  	[tilespmem:s3], [sflag:$0x9] =	stream.linear.gather [hbm4b:s4+s3], $0x5000, $0x38;
	[tilespmem:$0x1BE00] =	vst v63  }
0x14: {  	_ =	swait.ge [sflag:s13], $0x5000  }
0x15: {  	[sflag:s13] =	ssyncset.done $0x0  }
0x16: {  	[sflag:s13] =	ssyncadd.s32 $0xFFFFB000  }
0x17: {  	[tilespmem:s14], [sflag:$0x9] =	stream.linear.gather [hbm4b:s5+s3], $0x5000, $0x38;
	[tilespmem:$0x1BE00] =	vst v63  }
0x18: {  	_ =	swait.ge [sflag:s13], $0x5000  }
0x19: {  	[sflag:s13] =	ssyncset.done $0x0  }
0x1a: {  	s28 =	simm.s32 $0x100;
	s18 =	simm.s32 $0x0;
	[sflag:s13] =	ssyncadd.s32 $0xFFFFB000  }
.LBB2_2:
0x1b: {  	p0 =	sne.s32 s28, $0x7F00;
	[tilespmem:s18+$0xA030] =	vst v0;
	s30 =	smov.u32 s28;
	s28 =	sadd.s32 $0x100, s28  }
.Ltmp0:
0x1c: {  	[tilespmem:s18+$0xA020] =	vst v0;
	(pc) =	sbr.rel @p0 .LBB2_2-.Ltmp0, $3  }
0x1d: {  	[tilespmem:s18+$0xA000] =	vst v0  }
0x1e: {  	[tilespmem:s18+$0xA010] =	vst v0;
	_ =	sdelay $0x1  }
0x1f: {  	s18 =	sshra.s32 s30, $0x2  }
0x20: {  	[tilespmem:s18+$0xA030] =	vst v0  }
0x21: {  	[tilespmem:s18+$0xA020] =	vst v0  }
0x22: {  	[tilespmem:s18+$0xA000] =	vst v0  }
0x23: {  	[tilespmem:s18+$0xA010] =	vst v0  }
0x24: {  	[spmem:s6] =	stream.linear.scatter [tilespmem:s15], [sflag:$0x9], $0x2000, $0x38;
	[tilespmem:$0x1BE00] =	vst v63  }
0x25: {  	_ =	swait.ge [sflag:s13], $0x2000  }
0x26: {  	[sflag:s13] =	ssyncset.done $0x0  }
0x27: {  	[sflag:s13] =	ssyncadd.s32 $0xFFFFE000  }
0x28: {  	[spmem:s7] =	stream.linear.scatter [tilespmem:s15], [sflag:$0x9], $0x2000, $0x38;
	[tilespmem:$0x1BE00] =	vst v63  }
0x29: {  	_ =	swait.ge [sflag:s13], $0x2000  }
0x2a: {  	[sflag:s13] =	ssyncset.done $0x0  }
0x2b: {  	[sflag:s13] =	ssyncadd.s32 $0xFFFFE000  }
0x2c: {  	[spmem:s8] =	stream.linear.scatter [tilespmem:s15], [sflag:$0x9], $0x2000, $0x38;
	[tilespmem:$0x1BE00] =	vst v63  }
0x2d: {  	_ =	swait.ge [sflag:s13], $0x2000  }
0x2e: {  	[sflag:s13] =	ssyncset.done $0x0  }
0x2f: {  	[sflag:s13] =	ssyncadd.s32 $0xFFFFE000  }
0x30: {  	[spmem:s9] =	stream.linear.scatter [tilespmem:s15], [sflag:$0x9], $0x2000, $0x38;
	[tilespmem:$0x1BE00] =	vst v63  }
0x31: {  	_ =	swait.ge [sflag:s13], $0x2000  }
0x32: {  	[sflag:s13] =	ssyncset.done $0x0  }
0x33: {  	[sflag:s13] =	ssyncadd.s32 $0xFFFFE000  }
0x34: {  	[spmem:s10] =	stream.linear.scatter [tilespmem:s15], [sflag:$0x9], $0x1E00, $0x38;
	[tilespmem:$0x1BE00] =	vst v63  }
0x35: {  	_ =	swait.ge [sflag:s13], $0x1E00  }
0x36: {  	[sflag:s13] =	ssyncset.done $0x0  }
0x37: {  	[sflag:s13] =	ssyncadd.s32 $0xFFFFE200  }
0x38: {  	s30 =	simm.s32 $0x0;
	[bflag:$0x0] =	sbarrier.arrive $0xFFFF  }
0x39: {  	[tilespmem:s15], [sflag:$0x1] =	stream.indirect.gather [hbm4b:s11+s16], $0x40, s30, s16, $0xb8;
	[tilespmem:$0x1BE00] =	vst v63  }
0x3a: {  	_ = 	snop  }
0x3b: {  	[tilespmem:s17], [sflag:$0x2] =	stream.indirect.gather [hbm4b:s11+s16], $0x40, s16, s16, $0xb8;
	[tilespmem:$0x1BE00] =	vst v63  }
0x3c: {  	s30 =	simm.s32 $0x100  }
0x3d: {  	[tilespmem:s19], [sflag:$0x3] =	stream.indirect.gather [hbm4b:s11+s16], $0x40, s30, s16, $0xb8;
	[tilespmem:$0x1BE00] =	vst v63  }
0x3e: {  	_ =	swait.ge [sflag:s20], $0x2000  }
0x3f: {  	[sflag:s20] =	ssyncset.done $0x0  }
0x40: {  	[sflag:s20] =	ssyncadd.s32 $0xFFFFE000  }
0x41: {  	[spmem:s2] =	stream.indirect.scatter.add.f32 [tilespmem:s15], [sflag:$0x5], $0x40, s14, s16, $0xb8;
	[tilespmem:$0x1BE00] =	vst v63  }
0x42: {  	s30 =	simm.s32 $0x180  }
0x43: {  	[tilespmem:s22], [sflag:$0x4] =	stream.indirect.gather [hbm4b:s11+s16], $0x40, s30, s16, $0xb8;
	[tilespmem:$0x1BE00] =	vst v63  }
0x44: {  	_ =	swait.ge [sflag:s23], $0x2000  }
0x45: {  	[sflag:s23] =	ssyncset.done $0x0  }
0x46: {  	s30 =	simm.s32 $0x5080;
	[sflag:s23] =	ssyncadd.s32 $0xFFFFE000  }
0x47: {  	[spmem:s2] =	stream.indirect.scatter.add.f32 [tilespmem:s17], [sflag:$0x6], $0x40, s30, s16, $0xb8;
	[tilespmem:$0x1BE00] =	vst v63  }
0x48: {  	_ =	swait.ge [sflag:s26], $0x2000  }
0x49: {  	[sflag:s26] =	ssyncset.done $0x0  }
0x4a: {  	s30 =	simm.s32 $0x200;
	[sflag:s26] =	ssyncadd.s32 $0xFFFFE000  }
0x4b: {  	[tilespmem:s15], [sflag:$0x1] =	stream.indirect.gather [hbm4b:s11+s16], $0x40, s30, s16, $0xb8;
	[tilespmem:$0x1BE00] =	vst v63  }
0x4c: {  	_ =	swait.ge [sflag:s29], $0x2000  }
0x4d: {  	[sflag:s29] =	ssyncset.done $0x0  }
0x4e: {  	s30 =	simm.s32 $0x5100;
	[sflag:s29] =	ssyncadd.s32 $0xFFFFE000  }
0x4f: {  	[spmem:s2] =	stream.indirect.scatter.add.f32 [tilespmem:s19], [sflag:$0x7], $0x40, s30, s16, $0xb8;
	[tilespmem:$0x1BE00] =	vst v63  }
0x50: {  	_ =	swait.ge [sflag:s31], $0x2000  }
0x51: {  	[sflag:s31] =	ssyncset.done $0x0  }
0x52: {  	s30 =	simm.s32 $0x280;
	[sflag:s31] =	ssyncadd.s32 $0xFFFFE000  }
0x53: {  	[tilespmem:s17], [sflag:$0x2] =	stream.indirect.gather [hbm4b:s11+s16], $0x40, s30, s16, $0xb8;
	[tilespmem:$0x1BE00] =	vst v63  }
0x54: {  	_ =	swait.ge [sflag:s1], $0x2000  }
0x55: {  	[sflag:s1] =	ssyncset.done $0x0  }
0x56: {  	s30 =	simm.s32 $0x5180;
	[sflag:s1] =	ssyncadd.s32 $0xFFFFE000  }
0x57: {  	[spmem:s2] =	stream.indirect.scatter.add.f32 [tilespmem:s22], [sflag:$0x8], $0x40, s30, s16, $0xb8;
	[tilespmem:$0x1BE00] =	vst v63  }
0x58: {  	_ =	swait.ge [sflag:s21], $0x2000  }
0x59: {  	[sflag:s21] =	ssyncset.done $0x0  }
0x5a: {  	s30 =	simm.s32 $0x300;
	[sflag:s21] =	ssyncadd.s32 $0xFFFFE000  }
0x5b: {  	[tilespmem:s19], [sflag:$0x3] =	stream.indirect.gather [hbm4b:s11+s16], $0x40, s30, s16, $0xb8;
	[tilespmem:$0x1BE00] =	vst v63  }
0x5c: {  	_ =	swait.ge [sflag:s20], $0x2000  }
0x5d: {  	[sflag:s20] =	ssyncset.done $0x0  }
0x5e: {  	s30 =	simm.s32 $0x5200;
	[sflag:s20] =	ssyncadd.s32 $0xFFFFE000  }
0x5f: {  	[spmem:s2] =	stream.indirect.scatter.add.f32 [tilespmem:s15], [sflag:$0x5], $0x40, s30, s16, $0xb8;
	[tilespmem:$0x1BE00] =	vst v63  }
0x60: {  	_ =	swait.ge [sflag:s25], $0x2000  }
0x61: {  	[sflag:s25] =	ssyncset.done $0x0  }
0x62: {  	s30 =	simm.s32 $0x380;
	[sflag:s25] =	ssyncadd.s32 $0xFFFFE000  }
0x63: {  	[tilespmem:s22], [sflag:$0x4] =	stream.indirect.gather [hbm4b:s11+s16], $0x40, s30, s16, $0xb8;
	[tilespmem:$0x1BE00] =	vst v63  }
0x64: {  	_ =	swait.ge [sflag:s23], $0x2000  }
0x65: {  	[sflag:s23] =	ssyncset.done $0x0  }
0x66: {  	s30 =	simm.s32 $0x5280;
	[sflag:s23] =	ssyncadd.s32 $0xFFFFE000  }
0x67: {  	[spmem:s2] =	stream.indirect.scatter.add.f32 [tilespmem:s17], [sflag:$0x6], $0x40, s30, s16, $0xb8;
	[tilespmem:$0x1BE00] =	vst v63  }
0x68: {  	_ =	swait.ge [sflag:s26], $0x2000  }
0x69: {  	[sflag:s26] =	ssyncset.done $0x0  }
0x6a: {  	s30 =	simm.s32 $0x400;
	[sflag:s26] =	ssyncadd.s32 $0xFFFFE000  }
0x6b: {  	[tilespmem:s15], [sflag:$0x1] =	stream.indirect.gather [hbm4b:s11+s16], $0x40, s30, s16, $0xb8;
	[tilespmem:$0x1BE00] =	vst v63  }
0x6c: {  	_ =	swait.ge [sflag:s29], $0x2000  }
0x6d: {  	[sflag:s29] =	ssyncset.done $0x0  }
0x6e: {  	s30 =	simm.s32 $0x5300;
	[sflag:s29] =	ssyncadd.s32 $0xFFFFE000  }
0x6f: {  	[spmem:s2] =	stream.indirect.scatter.add.f32 [tilespmem:s19], [sflag:$0x7], $0x40, s30, s16, $0xb8;
	[tilespmem:$0x1BE00] =	vst v63  }
0x70: {  	_ =	swait.ge [sflag:s31], $0x2000  }
0x71: {  	[sflag:s31] =	ssyncset.done $0x0  }
0x72: {  	s30 =	simm.s32 $0x480;
	[sflag:s31] =	ssyncadd.s32 $0xFFFFE000  }
0x73: {  	[tilespmem:s17], [sflag:$0x2] =	stream.indirect.gather [hbm4b:s11+s16], $0x40, s30, s16, $0xb8;
	[tilespmem:$0x1BE00] =	vst v63  }
0x74: {  	_ =	swait.ge [sflag:s1], $0x2000  }
0x75: {  	[sflag:s1] =	ssyncset.done $0x0  }
0x76: {  	s18 =	simm.s32 $0x800;
	s28 =	simm.s32 $0x5380;
	[sflag:s1] =	ssyncadd.s32 $0xFFFFE000  }
.LBB2_4:
0x77: {  	[spmem:s2] =	stream.indirect.scatter.add.f32 [tilespmem:s22], [sflag:$0x8], $0x40, s28, s16, $0xb8;
	[tilespmem:$0x1BE00] =	vst v63  }
0x78: {  	s28 =	smov.u32 s18  }
0x79: {  	p0 =	sne.s32 s18, $0x12800;
	s18 =	sadd.s32 $0x800, s18;
	_ =	swait.ge [sflag:s21], $0x2000  }
0x7a: {  	s28 =	sshra.s32 s28, $0x2;
	[sflag:s21] =	ssyncset.done $0x0  }
0x7b: {  	s30 =	sadd.s32 $0x300, s28;
	[sflag:s21] =	ssyncadd.s32 $0xFFFFE000  }
0x7c: {  	[tilespmem:s19], [sflag:$0x3] =	stream.indirect.gather [hbm4b:s11+s16], $0x40, s30, s16, $0xb8;
	[tilespmem:$0x1BE00] =	vst v63  }
0x7d: {  	_ =	swait.ge [sflag:s20], $0x2000  }
0x7e: {  	[sflag:s20] =	ssyncset.done $0x0  }
0x7f: {  	s30 =	sadd.s32 $0x5200, s28;
	[sflag:s20] =	ssyncadd.s32 $0xFFFFE000  }
0x80: {  	[spmem:s2] =	stream.indirect.scatter.add.f32 [tilespmem:s15], [sflag:$0x5], $0x40, s30, s16, $0xb8;
	[tilespmem:$0x1BE00] =	vst v63  }
0x81: {  	_ =	swait.ge [sflag:s25], $0x2000  }
0x82: {  	[sflag:s25] =	ssyncset.done $0x0  }
0x83: {  	s30 =	sadd.s32 $0x380, s28;
	[sflag:s25] =	ssyncadd.s32 $0xFFFFE000  }
0x84: {  	[tilespmem:s22], [sflag:$0x4] =	stream.indirect.gather [hbm4b:s11+s16], $0x40, s30, s16, $0xb8;
	[tilespmem:$0x1BE00] =	vst v63  }
0x85: {  	_ =	swait.ge [sflag:s23], $0x2000  }
0x86: {  	[sflag:s23] =	ssyncset.done $0x0  }
0x87: {  	s30 =	sadd.s32 $0x5280, s28;
	[sflag:s23] =	ssyncadd.s32 $0xFFFFE000  }
0x88: {  	[spmem:s2] =	stream.indirect.scatter.add.f32 [tilespmem:s17], [sflag:$0x6], $0x40, s30, s16, $0xb8;
	[tilespmem:$0x1BE00] =	vst v63  }
0x89: {  	_ =	swait.ge [sflag:s26], $0x2000  }
0x8a: {  	[sflag:s26] =	ssyncset.done $0x0  }
0x8b: {  	s30 =	sadd.s32 $0x400, s28;
	[sflag:s26] =	ssyncadd.s32 $0xFFFFE000  }
0x8c: {  	[tilespmem:s15], [sflag:$0x1] =	stream.indirect.gather [hbm4b:s11+s16], $0x40, s30, s16, $0xb8;
	[tilespmem:$0x1BE00] =	vst v63  }
0x8d: {  	_ =	swait.ge [sflag:s29], $0x2000  }
0x8e: {  	[sflag:s29] =	ssyncset.done $0x0  }
0x8f: {  	s30 =	sadd.s32 $0x5300, s28;
	[sflag:s29] =	ssyncadd.s32 $0xFFFFE000  }
0x90: {  	[spmem:s2] =	stream.indirect.scatter.add.f32 [tilespmem:s19], [sflag:$0x7], $0x40, s30, s16, $0xb8;
	[tilespmem:$0x1BE00] =	vst v63  }
0x91: {  	_ =	swait.ge [sflag:s31], $0x2000  }
0x92: {  	[sflag:s31] =	ssyncset.done $0x0  }
.Ltmp1:
0x93: {  	s30 =	sadd.s32 $0x480, s28;
	[sflag:s31] =	ssyncadd.s32 $0xFFFFE000;
	(pc) =	sbr.rel @p0 .LBB2_4-.Ltmp1, $4  }
0x94: {  	[tilespmem:s17], [sflag:$0x2] =	stream.indirect.gather [hbm4b:s11+s16], $0x40, s30, s16, $0xb8;
	[tilespmem:$0x1BE00] =	vst v63  }
0x95: {  	_ =	swait.ge [sflag:s1], $0x2000  }
0x96: {  	[sflag:s1] =	ssyncset.done $0x0  }
0x97: {  	s28 =	sadd.s32 $0x5380, s28;
	[sflag:s1] =	ssyncadd.s32 $0xFFFFE000  }
0x98: {  	[spmem:s2] =	stream.indirect.scatter.add.f32 [tilespmem:s22], [sflag:$0x8], $0x40, s28, s16, $0xb8;
	[tilespmem:$0x1BE00] =	vst v63  }
0x99: {  	_ =	swait.ge [sflag:s21], $0x2000  }
0x9a: {  	[sflag:s21] =	ssyncset.done $0x0  }
0x9b: {  	s18 =	simm.s32 $0x4F00;
	[sflag:s21] =	ssyncadd.s32 $0xFFFFE000  }
0x9c: {  	[tilespmem:s19], [sflag:$0x3] =	stream.indirect.gather [hbm4b:s11+s16], $0x40, s18, s16, $0xb8;
	[tilespmem:$0x1BE00] =	vst v63  }
0x9d: {  	_ =	swait.ge [sflag:s20], $0x2000  }
0x9e: {  	[sflag:s20] =	ssyncset.done $0x0  }
0x9f: {  	s30 =	simm.s32 $0x9E00;
	[sflag:s20] =	ssyncadd.s32 $0xFFFFE000  }
0xa0: {  	[spmem:s2] =	stream.indirect.scatter.add.f32 [tilespmem:s15], [sflag:$0x5], $0x40, s30, s16, $0xb8;
	[tilespmem:$0x1BE00] =	vst v63  }
0xa1: {  	_ =	swait.ge [sflag:s25], $0x2000  }
0xa2: {  	[sflag:s25] =	ssyncset.done $0x0  }
0xa3: {  	s28 =	simm.s32 $0x4F80;
	[sflag:s25] =	ssyncadd.s32 $0xFFFFE000  }
0xa4: {  	[tilespmem:s22], [sflag:$0x4] =	stream.indirect.gather [hbm4b:s11+s16], $0x40, s28, s16, $0xb8;
	[tilespmem:$0x1BE00] =	vst v63  }
0xa5: {  	_ =	swait.ge [sflag:s23], $0x2000  }
0xa6: {  	[sflag:s23] =	ssyncset.done $0x0  }
0xa7: {  	s30 =	simm.s32 $0x9E80;
	[sflag:s23] =	ssyncadd.s32 $0xFFFFE000  }
0xa8: {  	[spmem:s2] =	stream.indirect.scatter.add.f32 [tilespmem:s17], [sflag:$0x6], $0x40, s30, s16, $0xb8;
	[tilespmem:$0x1BE00] =	vst v63  }
0xa9: {  	_ =	swait.ge [sflag:s29], $0x2000  }
0xaa: {  	[sflag:s29] =	ssyncset.done $0x0  }
0xab: {  	s28 =	simm.s32 $0x9F00;
	[sflag:s29] =	ssyncadd.s32 $0xFFFFE000  }
0xac: {  	[spmem:s2] =	stream.indirect.scatter.add.f32 [tilespmem:s19], [sflag:$0x7], $0x40, s28, s16, $0xb8;
	[tilespmem:$0x1BE00] =	vst v63  }
0xad: {  	_ =	swait.ge [sflag:s1], $0x2000  }
0xae: {  	[sflag:s1] =	ssyncset.done $0x0  }
0xaf: {  	s30 =	simm.s32 $0x9F80;
	[sflag:s1] =	ssyncadd.s32 $0xFFFFE000  }
0xb0: {  	[spmem:s2] =	stream.indirect.scatter.add.f32 [tilespmem:s22], [sflag:$0x8], $0x40, s30, s16, $0xb8;
	[tilespmem:$0x1BE00] =	vst v63  }
0xb1: {  	_ =	swait.ge [sflag:s26], $0x2000  }
0xb2: {  	[sflag:s26] =	ssyncset.done $0x0  }
0xb3: {  	[sflag:s26] =	ssyncadd.s32 $0xFFFFE000  }
0xb4: {  	_ =	swait.ge [sflag:s31], $0x2000  }
0xb5: {  	[sflag:s31] =	ssyncset.done $0x0  }
0xb6: {  	[sflag:s31] =	ssyncadd.s32 $0xFFFFE000  }
0xb7: {  	_ =	swait.ge [sflag:s21], $0x2000  }
0xb8: {  	[sflag:s21] =	ssyncset.done $0x0  }
0xb9: {  	[sflag:s21] =	ssyncadd.s32 $0xFFFFE000  }
0xba: {  	s28 =	stileid.u32;
	_ =	swait.ge [sflag:s25], $0x2000  }
0xbb: {  	s0 =	sadd.s32 $0x1, s0;
	s18 =	sshll.u32 s28, $0x6;
	[sflag:s25] =	ssyncset.done $0x0  }
0xbc: {  	p0 =	sne.s32 s0, s12;
	s18 =	sor.u32 $0x1C09, s18;
	[sflag:s25] =	ssyncadd.s32 $0xFFFFE000  }
.Ltmp2:
0xbd: {  	s30 =	sshrl.u32 s6, $0x3;
	[bflag:$0x0] =	sbarrier.arrive $0xFFFF;
	(pc) =	sbr.rel @p0 .LBB2_1-.Ltmp2, $4  }
0xbe: {  	[hbm:s24], [sflag:s18] =	dma.local [spmem:s30], $0x13C0  }
0xbf: {  	_ =	swait.ge [sflag:s13], $0x13C0  }
0xc0: {  	[sflag:s13] =	ssyncset.done $0x0  }
0xc1: {  	[sflag:s13] =	ssyncadd.s32 $0xFFFFEC40  }
0xc2: {  	_ =	sfence.sel $0x180000  }
0xc3: {  	[bflag:$0x0] =	sbarrier.arrive $0xFFFF  }
0xc4: {  	_ =	strace $0x90000047  }
0xc5: {  	s0 =	stileid.u32;
	[bflag:$0x2] =	sbarrier.arrive $0xFFFF  }
0xc6: {  	p0 =	sne.s32 s0, $0x0;
	s0 =	rddreg [dreg:$0x3]  }
0xc7: {  	s0 =	sadd.s32 @!p0 $0x100000, s0  }
0xc8: {  	[sflag:s0] =	ssyncadd.tile.s32 @!p0 $0x1;
	_ =	shalt  }
.Lfunc_end2:
_tile_overlayer_lowered:
.L_overlay_start_2:
0xc9: {  	(tag) =	ssettag $0x2  }
0xca: {  	s0 =	rddreg [dreg:$0x0];
	s2 =	stileid.u32  }
0xcb: {  	s1 =	rddreg [dreg:$0x1];
	p0 =	sne.s32 s2, $0x0  }
0xcc: {  	s3 =	rddreg [dreg:$0x2];
	[bflag:$0x3] =	sbarrier.arrive $0xFFFF;
	s2 =	simm.s32 @!p0 $0x1C09  }
0xcd: {  	[timem:s3], [sflag:s2] =	dma.local @!p0 [hbm:s0], s1  }
0xce: {  	s0 =	simm.s32 @!p0 $0x9  }
0xcf: {  	_ =	swait.ge @!p0 [sflag:s0], s1  }
0xd0: {  	s1 =	ssub.s32 @!p0 $0x0, s1;
	[sflag:s0] =	ssyncset.done @!p0 $0x0  }
0xd1: {  	[sflag:s0] =	ssyncadd.s32 @!p0 s1  }
0xd2: {  	[bflag:$0x3] =	sbarrier.arrive $0xFFFF  }
0xd3: {  	_ =	shalt  }

</sc_bundles>
